<compile_context>
chip_gen: v7x
topology: tpu7x:2x2x1
jax: 0.10.2.dev20260603
libtpu: 0.0.44.dev20260713+nightly
codegen_flags: <defaults>
</compile_context>

<pallas_src>
import functools

import jax
import jax.numpy as jnp
from jax import lax
from jax.experimental import pallas as pl
from jax.experimental.pallas import tpu as pltpu
from jax.experimental.pallas import tpu_sc as plsc

_NCHUNK = 8


@functools.lru_cache(maxsize=None)
def _make_gather(V, D, B, NC, NS):
    NW = NC * NS
    b_per_w = B // NW
    assert B % (NW * _NCHUNK) == 0
    _CHUNKS = (b_per_w // _NCHUNK,) * _NCHUNK
    offs = [sum(_CHUNKS[:i]) for i in range(_NCHUNK)]
    v_main = ((V + NS - 1) // NS + 7) // 8 * 8
    assert v_main % 8 == 0 and (V - v_main) % 8 == 0 and v_main * NS >= V
    mesh = plsc.VectorSubcoreMesh(core_axis_name="c", subcore_axis_name="s")

    @functools.partial(
        pl.kernel,
        mesh=mesh,
        out_type=jax.ShapeDtypeStruct((B, D), jnp.float32),
        scratch_types=[
            pltpu.VMEM_SHARED((V, D), jnp.float32),
            pltpu.VMEM((b_per_w,), jnp.int32),
            pltpu.VMEM((b_per_w, D), jnp.float32),
            pltpu.SemaphoreType.DMA((2 * _NCHUNK + 2,)),
        ],
    )
    def k(idx_hbm, table_hbm, out_hbm, tab_s, idx_v, rows_v, sems):
        gsem = [sems.at[i] for i in range(_NCHUNK)]
        ssem = [sems.at[_NCHUNK + i] for i in range(_NCHUNK)]
        tsem, isem = sems.at[2 * _NCHUNK], sems.at[2 * _NCHUNK + 1]
        cid = lax.axis_index("c")
        sid = lax.axis_index("s")
        wid = sid * NC + cid
        base = wid * b_per_w
        icopy = pltpu.async_copy(idx_hbm.at[pl.ds(base, b_per_w)], idx_v, isem)
        voff = lax.min(sid * v_main, V - v_main)
        pltpu.async_copy(
            table_hbm.at[pl.ds(voff, v_main)],
            tab_s.at[pl.ds(voff, v_main)],
            tsem,
        ).wait()
        icopy.wait()
        plsc.subcore_barrier()
        gathers = [
            pltpu.async_copy(
                tab_s.at[idx_v.at[pl.ds(offs[i], _CHUNKS[i])]],
                rows_v.at[pl.ds(offs[i], _CHUNKS[i])],
                gsem[i],
            )
            for i in range(_NCHUNK)
        ]
        stores = []
        for i in range(_NCHUNK):
            gathers[i].wait()
            stores.append(
                pltpu.async_copy(
                    rows_v.at[pl.ds(offs[i], _CHUNKS[i])],
                    out_hbm.at[pl.ds(base + offs[i], _CHUNKS[i])],
                    ssem[i],
                )
            )
        for s in stores:
            s.wait()

    return k


def kernel(t, time_encodings):
    t = t.astype(jnp.int32)
    (B,) = t.shape
    V, D = time_encodings.shape
    info = plsc.get_sparse_core_info()
    k = _make_gather(V, D, B, info.num_cores, info.num_subcores)
    return k(t, time_encodings)

# --- scband reference (transcript-rebuilt; emitter-appended) ---
"""Pipeline reference for scband-sinusoidal-time-embedding-76209899700259 (READ-ONLY COPY).

The authoritative reference and input builder live on the scoring server;
editing this copy changes nothing except your own understanding.
"""

import jax, jax.numpy as jnp
import numpy as np
import math

T_DIM = 128
N_TIMESTEPS = 1000
BATCH = 16384

def _build_time_encodings():
    timesteps = jnp.arange(N_TIMESTEPS, dtype=jnp.float32)[:, None]
    denom = jnp.exp(math.log(10000.0) * (jnp.arange(0, T_DIM, 2, dtype=jnp.float32) / T_DIM))[None, :]
    enc = jnp.zeros((N_TIMESTEPS, T_DIM), dtype=jnp.float32)
    enc = enc.at[:, ::2].set(jnp.sin(timesteps / denom))
    enc = enc.at[:, 1::2].set(jnp.cos(timesteps / denom))
    return enc

def setup_inputs(seed: int = 0) -> dict:
    key = jax.random.key(seed)
    t = jax.random.randint(key, (BATCH,), 0, N_TIMESTEPS, dtype=jnp.int64 if jax.config.jax_enable_x64 else jnp.int32)
    time_encodings = _build_time_encodings()
    return {"t": t, "time_encodings": time_encodings}

def reference(t, time_encodings):
    # forward: PE table gather at timestep indices
    return jnp.take(time_encodings, t, axis=0)

if __name__ == "__main__":
    import jax
    _d = setup_inputs()
    print(jax.jit(kernel)(*tuple(_d.values())))

</pallas_src>

<mosaic_0001>
#map = affine_map<(d0, d1) -> (0)>
#map1 = affine_map<(d0, d1) -> (0, 0)>
module attributes {stable_mosaic.version = 14 : i64} {
  func.func @k(%arg0: i32, %arg1: i32, %arg2: memref<16384xi32, #tpu.memory_space<hbm>>, %arg3: memref<1000x128xf32, #tpu.memory_space<hbm>>, %arg4: memref<16384x128xf32, #tpu.memory_space<hbm>>, %arg5: memref<1000x128xf32, #tpu.memory_space<vmem_shared>>, %arg6: memref<512xi32, #tpu.memory_space<vmem>>, %arg7: memref<512x128xf32, #tpu.memory_space<vmem>>, %arg8: memref<18x!tpu.dma_semaphore, #tpu.memory_space<semaphore_mem>>) attributes {dimension_semantics = [#tpu.dimension_semantics<core_parallel>, #tpu.dimension_semantics<subcore_parallel>], iteration_bounds = array<i64: 2, 16>, scalar_prefetch = 0 : i64, scratch_operands = 4 : i64, tpu.core_type = #tpu.core_type<sc_vector_subcore>, window_params = [{transform_indices = #map}, {transform_indices = #map1}, {transform_indices = #map1}]} {
    %mul3A = arith.constant 2 : i32
    %mul3A_0 = arith.muli %arg1, %mul3A : i32
    %add3A = arith.addi %mul3A_0, %arg0 : i32
    %mul3A_1 = arith.constant 512 : i32
    %mul3A_2 = arith.muli %add3A, %mul3A_1 : i32
    %dma_start3A = arith.constant 17 : i32
    %dma_start3A_3 = tpu.memref_slice %arg2[%mul3A_2] : memref<16384xi32, #tpu.memory_space<hbm>> -> memref<512xi32, #tpu.memory_space<hbm>>
    %dma_start3A_4 = tpu.memref_slice %arg8[%dma_start3A] : memref<18x!tpu.dma_semaphore, #tpu.memory_space<semaphore_mem>> -> memref<1x!tpu.dma_semaphore, #tpu.memory_space<semaphore_mem>>
    %dma_start3A_5 = tpu.memref_squeeze %dma_start3A_4 : memref<1x!tpu.dma_semaphore, #tpu.memory_space<semaphore_mem>> -> memref<!tpu.dma_semaphore, #tpu.memory_space<semaphore_mem>>
    %dma_start3A_6 = tpu.memref_slice %arg2[%mul3A_2] : memref<16384xi32, #tpu.memory_space<hbm>> -> memref<512xi32, #tpu.memory_space<hbm>>
    tpu.enqueue_dma source(%dma_start3A_6 : memref<512xi32, #tpu.memory_space<hbm>>) target(%arg6 : memref<512xi32, #tpu.memory_space<vmem>>) target_semaphore(%dma_start3A_5 : memref<!tpu.dma_semaphore, #tpu.memory_space<semaphore_mem>>)
    %mul3A_7 = arith.constant 64 : i32
    %mul3A_8 = arith.muli %arg1, %mul3A_7 : i32
    %min3A = arith.constant 936 : i32
    %min3A_9 = arith.minsi %mul3A_8, %min3A : i32
    %dma_start3A_10 = arith.constant 16 : i32
    %dma_start3A_11 = tpu.memref_slice %arg8[%dma_start3A_10] : memref<18x!tpu.dma_semaphore, #tpu.memory_space<semaphore_mem>> -> memref<1x!tpu.dma_semaphore, #tpu.memory_space<semaphore_mem>>
    %dma_start3A_12 = tpu.memref_squeeze %dma_start3A_11 : memref<1x!tpu.dma_semaphore, #tpu.memory_space<semaphore_mem>> -> memref<!tpu.dma_semaphore, #tpu.memory_space<semaphore_mem>>
    %dma_start3A_13 = arith.constant 0 : i32
    %dma_start3A_14 = tpu.memref_slice %arg5[%min3A_9, %dma_start3A_13] : memref<1000x128xf32, #tpu.memory_space<vmem_shared>> -> memref<64x128xf32, #tpu.memory_space<vmem_shared>>
    %dma_start3A_15 = arith.constant 0 : i32
    %dma_start3A_16 = tpu.memref_slice %arg3[%min3A_9, %dma_start3A_15] : memref<1000x128xf32, #tpu.memory_space<hbm>> -> memref<64x128xf32, #tpu.memory_space<hbm>>
    tpu.enqueue_dma source(%dma_start3A_16 : memref<64x128xf32, #tpu.memory_space<hbm>>) target(%dma_start3A_14 : memref<64x128xf32, #tpu.memory_space<vmem_shared>>) target_semaphore(%dma_start3A_12 : memref<!tpu.dma_semaphore, #tpu.memory_space<semaphore_mem>>)
    %dma_wait3A = arith.constant 16 : i32
    %dma_wait3A_17 = tpu.memref_slice %arg8[%dma_wait3A] : memref<18x!tpu.dma_semaphore, #tpu.memory_space<semaphore_mem>> -> memref<1x!tpu.dma_semaphore, #tpu.memory_space<semaphore_mem>>
    %dma_wait3A_18 = tpu.memref_squeeze %dma_wait3A_17 : memref<1x!tpu.dma_semaphore, #tpu.memory_space<semaphore_mem>> -> memref<!tpu.dma_semaphore, #tpu.memory_space<semaphore_mem>>
    %dma_wait3A_19 = arith.constant 0 : i32
    %dma_wait3A_20 = tpu.memref_slice %arg5[%min3A_9, %dma_wait3A_19] : memref<1000x128xf32, #tpu.memory_space<vmem_shared>> -> memref<64x128xf32, #tpu.memory_space<vmem_shared>>
    %dma_wait3A_21 = arith.constant 0 : i32
    %dma_wait3A_22 = tpu.memref_slice %arg3[%min3A_9, %dma_wait3A_21] : memref<1000x128xf32, #tpu.memory_space<hbm>> -> memref<64x128xf32, #tpu.memory_space<hbm>>
    tpu.wait_dma2 semaphore(%dma_wait3A_18 : memref<!tpu.dma_semaphore, #tpu.memory_space<semaphore_mem>>) src(%dma_wait3A_22 : memref<64x128xf32, #tpu.memory_space<hbm>>) dst(%dma_wait3A_20 : memref<64x128xf32, #tpu.memory_space<vmem_shared>>)
    %dma_wait3A_23 = arith.constant 17 : i32
    %dma_wait3A_24 = tpu.memref_slice %arg2[%mul3A_2] : memref<16384xi32, #tpu.memory_space<hbm>> -> memref<512xi32, #tpu.memory_space<hbm>>
    %dma_wait3A_25 = tpu.memref_slice %arg8[%dma_wait3A_23] : memref<18x!tpu.dma_semaphore, #tpu.memory_space<semaphore_mem>> -> memref<1x!tpu.dma_semaphore, #tpu.memory_space<semaphore_mem>>
    %dma_wait3A_26 = tpu.memref_squeeze %dma_wait3A_25 : memref<1x!tpu.dma_semaphore, #tpu.memory_space<semaphore_mem>> -> memref<!tpu.dma_semaphore, #tpu.memory_space<semaphore_mem>>
    %dma_wait3A_27 = tpu.memref_slice %arg2[%mul3A_2] : memref<16384xi32, #tpu.memory_space<hbm>> -> memref<512xi32, #tpu.memory_space<hbm>>
    tpu.wait_dma2 semaphore(%dma_wait3A_26 : memref<!tpu.dma_semaphore, #tpu.memory_space<semaphore_mem>>) src(%dma_wait3A_27 : memref<512xi32, #tpu.memory_space<hbm>>) dst(%arg6 : memref<512xi32, #tpu.memory_space<vmem>>)
    %barrier3A = arith.constant 0 : index
    tpu.barrier barrier_id(%barrier3A)
    %dma_start3A_28 = arith.constant 0 : i32
    %dma_start3A_29 = arith.constant 0 : i32
    %dma_start3A_30 = arith.constant 0 : i32
    %dma_start3A_31 = tpu.memref_slice %arg7[%dma_start3A_29, %dma_start3A_30] : memref<512x128xf32, #tpu.memory_space<vmem>> -> memref<64x128xf32, #tpu.memory_space<vmem>>
    %dma_start3A_32 = arith.constant 0 : i32
    %dma_start3A_33 = tpu.memref_slice %arg6[%dma_start3A_32] : memref<512xi32, #tpu.memory_space<vmem>> -> memref<64xi32, #tpu.memory_space<vmem>>
    %dma_start3A_34 = arith.constant 0 : i32
    %dma_start3A_35 = arith.constant 0 : i32
    %dma_start3A_36 = tpu.memref_slice %arg5[%dma_start3A_34, %dma_start3A_35] : memref<1000x128xf32, #tpu.memory_space<vmem_shared>> -> memref<1000x128xf32, #tpu.memory_space<vmem_shared>>
    %dma_start3A_37 = tpu.memref_slice %arg8[%dma_start3A_28] : memref<18x!tpu.dma_semaphore, #tpu.memory_space<semaphore_mem>> -> memref<1x!tpu.dma_semaphore, #tpu.memory_space<semaphore_mem>>
    %dma_start3A_38 = tpu.memref_squeeze %dma_start3A_37 : memref<1x!tpu.dma_semaphore, #tpu.memory_space<semaphore_mem>> -> memref<!tpu.dma_semaphore, #tpu.memory_space<semaphore_mem>>
    tpu.enqueue_indirect_dma source(%dma_start3A_36 : memref<1000x128xf32, #tpu.memory_space<vmem_shared>>) target(%dma_start3A_31 : memref<64x128xf32, #tpu.memory_space<vmem>>) offsets(%dma_start3A_33 : memref<64xi32, #tpu.memory_space<vmem>>) semaphore(%dma_start3A_38 : memref<!tpu.dma_semaphore, #tpu.memory_space<semaphore_mem>>)
    %dma_start3A_39 = arith.constant 1 : i32
    %dma_start3A_40 = arith.constant 64 : i32
    %dma_start3A_41 = arith.constant 0 : i32
    %dma_start3A_42 = tpu.memref_slice %arg7[%dma_start3A_40, %dma_start3A_41] : memref<512x128xf32, #tpu.memory_space<vmem>> -> memref<64x128xf32, #tpu.memory_space<vmem>>
    %dma_start3A_43 = arith.constant 64 : i32
    %dma_start3A_44 = tpu.memref_slice %arg6[%dma_start3A_43] : memref<512xi32, #tpu.memory_space<vmem>> -> memref<64xi32, #tpu.memory_space<vmem>>
    %dma_start3A_45 = arith.constant 0 : i32
    %dma_start3A_46 = arith.constant 0 : i32
    %dma_start3A_47 = tpu.memref_slice %arg5[%dma_start3A_45, %dma_start3A_46] : memref<1000x128xf32, #tpu.memory_space<vmem_shared>> -> memref<1000x128xf32, #tpu.memory_space<vmem_shared>>
    %dma_start3A_48 = tpu.memref_slice %arg8[%dma_start3A_39] : memref<18x!tpu.dma_semaphore, #tpu.memory_space<semaphore_mem>> -> memref<1x!tpu.dma_semaphore, #tpu.memory_space<semaphore_mem>>
    %dma_start3A_49 = tpu.memref_squeeze %dma_start3A_48 : memref<1x!tpu.dma_semaphore, #tpu.memory_space<semaphore_mem>> -> memref<!tpu.dma_semaphore, #tpu.memory_space<semaphore_mem>>
    tpu.enqueue_indirect_dma source(%dma_start3A_47 : memref<1000x128xf32, #tpu.memory_space<vmem_shared>>) target(%dma_start3A_42 : memref<64x128xf32, #tpu.memory_space<vmem>>) offsets(%dma_start3A_44 : memref<64xi32, #tpu.memory_space<vmem>>) semaphore(%dma_start3A_49 : memref<!tpu.dma_semaphore, #tpu.memory_space<semaphore_mem>>)
    %dma_start3A_50 = arith.constant 2 : i32
    %dma_start3A_51 = arith.constant 128 : i32
    %dma_start3A_52 = arith.constant 0 : i32
    %dma_start3A_53 = tpu.memref_slice %arg7[%dma_start3A_51, %dma_start3A_52] : memref<512x128xf32, #tpu.memory_space<vmem>> -> memref<64x128xf32, #tpu.memory_space<vmem>>
    %dma_start3A_54 = arith.constant 128 : i32
    %dma_start3A_55 = tpu.memref_slice %arg6[%dma_start3A_54] : memref<512xi32, #tpu.memory_space<vmem>> -> memref<64xi32, #tpu.memory_space<vmem>>
    %dma_start3A_56 = arith.constant 0 : i32
    %dma_start3A_57 = arith.constant 0 : i32
    %dma_start3A_58 = tpu.memref_slice %arg5[%dma_start3A_56, %dma_start3A_57] : memref<1000x128xf32, #tpu.memory_space<vmem_shared>> -> memref<1000x128xf32, #tpu.memory_space<vmem_shared>>
    %dma_start3A_59 = tpu.memref_slice %arg8[%dma_start3A_50] : memref<18x!tpu.dma_semaphore, #tpu.memory_space<semaphore_mem>> -> memref<1x!tpu.dma_semaphore, #tpu.memory_space<semaphore_mem>>
    %dma_start3A_60 = tpu.memref_squeeze %dma_start3A_59 : memref<1x!tpu.dma_semaphore, #tpu.memory_space<semaphore_mem>> -> memref<!tpu.dma_semaphore, #tpu.memory_space<semaphore_mem>>
    tpu.enqueue_indirect_dma source(%dma_start3A_58 : memref<1000x128xf32, #tpu.memory_space<vmem_shared>>) target(%dma_start3A_53 : memref<64x128xf32, #tpu.memory_space<vmem>>) offsets(%dma_start3A_55 : memref<64xi32, #tpu.memory_space<vmem>>) semaphore(%dma_start3A_60 : memref<!tpu.dma_semaphore, #tpu.memory_space<semaphore_mem>>)
    %dma_start3A_61 = arith.constant 3 : i32
    %dma_start3A_62 = arith.constant 192 : i32
    %dma_start3A_63 = arith.constant 0 : i32
    %dma_start3A_64 = tpu.memref_slice %arg7[%dma_start3A_62, %dma_start3A_63] : memref<512x128xf32, #tpu.memory_space<vmem>> -> memref<64x128xf32, #tpu.memory_space<vmem>>
    %dma_start3A_65 = arith.constant 192 : i32
    %dma_start3A_66 = tpu.memref_slice %arg6[%dma_start3A_65] : memref<512xi32, #tpu.memory_space<vmem>> -> memref<64xi32, #tpu.memory_space<vmem>>
    %dma_start3A_67 = arith.constant 0 : i32
    %dma_start3A_68 = arith.constant 0 : i32
    %dma_start3A_69 = tpu.memref_slice %arg5[%dma_start3A_67, %dma_start3A_68] : memref<1000x128xf32, #tpu.memory_space<vmem_shared>> -> memref<1000x128xf32, #tpu.memory_space<vmem_shared>>
    %dma_start3A_70 = tpu.memref_slice %arg8[%dma_start3A_61] : memref<18x!tpu.dma_semaphore, #tpu.memory_space<semaphore_mem>> -> memref<1x!tpu.dma_semaphore, #tpu.memory_space<semaphore_mem>>
    %dma_start3A_71 = tpu.memref_squeeze %dma_start3A_70 : memref<1x!tpu.dma_semaphore, #tpu.memory_space<semaphore_mem>> -> memref<!tpu.dma_semaphore, #tpu.memory_space<semaphore_mem>>
    tpu.enqueue_indirect_dma source(%dma_start3A_69 : memref<1000x128xf32, #tpu.memory_space<vmem_shared>>) target(%dma_start3A_64 : memref<64x128xf32, #tpu.memory_space<vmem>>) offsets(%dma_start3A_66 : memref<64xi32, #tpu.memory_space<vmem>>) semaphore(%dma_start3A_71 : memref<!tpu.dma_semaphore, #tpu.memory_space<semaphore_mem>>)
    %dma_start3A_72 = arith.constant 4 : i32
    %dma_start3A_73 = arith.constant 256 : i32
    %dma_start3A_74 = arith.constant 0 : i32
    %dma_start3A_75 = tpu.memref_slice %arg7[%dma_start3A_73, %dma_start3A_74] : memref<512x128xf32, #tpu.memory_space<vmem>> -> memref<64x128xf32, #tpu.memory_space<vmem>>
    %dma_start3A_76 = arith.constant 256 : i32
    %dma_start3A_77 = tpu.memref_slice %arg6[%dma_start3A_76] : memref<512xi32, #tpu.memory_space<vmem>> -> memref<64xi32, #tpu.memory_space<vmem>>
    %dma_start3A_78 = arith.constant 0 : i32
    %dma_start3A_79 = arith.constant 0 : i32
    %dma_start3A_80 = tpu.memref_slice %arg5[%dma_start3A_78, %dma_start3A_79] : memref<1000x128xf32, #tpu.memory_space<vmem_shared>> -> memref<1000x128xf32, #tpu.memory_space<vmem_shared>>
    %dma_start3A_81 = tpu.memref_slice %arg8[%dma_start3A_72] : memref<18x!tpu.dma_semaphore, #tpu.memory_space<semaphore_mem>> -> memref<1x!tpu.dma_semaphore, #tpu.memory_space<semaphore_mem>>
    %dma_start3A_82 = tpu.memref_squeeze %dma_start3A_81 : memref<1x!tpu.dma_semaphore, #tpu.memory_space<semaphore_mem>> -> memref<!tpu.dma_semaphore, #tpu.memory_space<semaphore_mem>>
    tpu.enqueue_indirect_dma source(%dma_start3A_80 : memref<1000x128xf32, #tpu.memory_space<vmem_shared>>) target(%dma_start3A_75 : memref<64x128xf32, #tpu.memory_space<vmem>>) offsets(%dma_start3A_77 : memref<64xi32, #tpu.memory_space<vmem>>) semaphore(%dma_start3A_82 : memref<!tpu.dma_semaphore, #tpu.memory_space<semaphore_mem>>)
    %dma_start3A_83 = arith.constant 5 : i32
    %dma_start3A_84 = arith.constant 320 : i32
    %dma_start3A_85 = arith.constant 0 : i32
    %dma_start3A_86 = tpu.memref_slice %arg7[%dma_start3A_84, %dma_start3A_85] : memref<512x128xf32, #tpu.memory_space<vmem>> -> memref<64x128xf32, #tpu.memory_space<vmem>>
    %dma_start3A_87 = arith.constant 320 : i32
    %dma_start3A_88 = tpu.memref_slice %arg6[%dma_start3A_87] : memref<512xi32, #tpu.memory_space<vmem>> -> memref<64xi32, #tpu.memory_space<vmem>>
    %dma_start3A_89 = arith.constant 0 : i32
    %dma_start3A_90 = arith.constant 0 : i32
    %dma_start3A_91 = tpu.memref_slice %arg5[%dma_start3A_89, %dma_start3A_90] : memref<1000x128xf32, #tpu.memory_space<vmem_shared>> -> memref<1000x128xf32, #tpu.memory_space<vmem_shared>>
    %dma_start3A_92 = tpu.memref_slice %arg8[%dma_start3A_83] : memref<18x!tpu.dma_semaphore, #tpu.memory_space<semaphore_mem>> -> memref<1x!tpu.dma_semaphore, #tpu.memory_space<semaphore_mem>>
    %dma_start3A_93 = tpu.memref_squeeze %dma_start3A_92 : memref<1x!tpu.dma_semaphore, #tpu.memory_space<semaphore_mem>> -> memref<!tpu.dma_semaphore, #tpu.memory_space<semaphore_mem>>
    tpu.enqueue_indirect_dma source(%dma_start3A_91 : memref<1000x128xf32, #tpu.memory_space<vmem_shared>>) target(%dma_start3A_86 : memref<64x128xf32, #tpu.memory_space<vmem>>) offsets(%dma_start3A_88 : memref<64xi32, #tpu.memory_space<vmem>>) semaphore(%dma_start3A_93 : memref<!tpu.dma_semaphore, #tpu.memory_space<semaphore_mem>>)
    %dma_start3A_94 = arith.constant 6 : i32
    %dma_start3A_95 = arith.constant 384 : i32
    %dma_start3A_96 = arith.constant 0 : i32
    %dma_start3A_97 = tpu.memref_slice %arg7[%dma_start3A_95, %dma_start3A_96] : memref<512x128xf32, #tpu.memory_space<vmem>> -> memref<64x128xf32, #tpu.memory_space<vmem>>
    %dma_start3A_98 = arith.constant 384 : i32
    %dma_start3A_99 = tpu.memref_slice %arg6[%dma_start3A_98] : memref<512xi32, #tpu.memory_space<vmem>> -> memref<64xi32, #tpu.memory_space<vmem>>
    %dma_start3A_100 = arith.constant 0 : i32
    %dma_start3A_101 = arith.constant 0 : i32
    %dma_start3A_102 = tpu.memref_slice %arg5[%dma_start3A_100, %dma_start3A_101] : memref<1000x128xf32, #tpu.memory_space<vmem_shared>> -> memref<1000x128xf32, #tpu.memory_space<vmem_shared>>
    %dma_start3A_103 = tpu.memref_slice %arg8[%dma_start3A_94] : memref<18x!tpu.dma_semaphore, #tpu.memory_space<semaphore_mem>> -> memref<1x!tpu.dma_semaphore, #tpu.memory_space<semaphore_mem>>
    %dma_start3A_104 = tpu.memref_squeeze %dma_start3A_103 : memref<1x!tpu.dma_semaphore, #tpu.memory_space<semaphore_mem>> -> memref<!tpu.dma_semaphore, #tpu.memory_space<semaphore_mem>>
    tpu.enqueue_indirect_dma source(%dma_start3A_102 : memref<1000x128xf32, #tpu.memory_space<vmem_shared>>) target(%dma_start3A_97 : memref<64x128xf32, #tpu.memory_space<vmem>>) offsets(%dma_start3A_99 : memref<64xi32, #tpu.memory_space<vmem>>) semaphore(%dma_start3A_104 : memref<!tpu.dma_semaphore, #tpu.memory_space<semaphore_mem>>)
    %dma_start3A_105 = arith.constant 7 : i32
    %dma_start3A_106 = arith.constant 448 : i32
    %dma_start3A_107 = arith.constant 0 : i32
    %dma_start3A_108 = tpu.memref_slice %arg7[%dma_start3A_106, %dma_start3A_107] : memref<512x128xf32, #tpu.memory_space<vmem>> -> memref<64x128xf32, #tpu.memory_space<vmem>>
    %dma_start3A_109 = arith.constant 448 : i32
    %dma_start3A_110 = tpu.memref_slice %arg6[%dma_start3A_109] : memref<512xi32, #tpu.memory_space<vmem>> -> memref<64xi32, #tpu.memory_space<vmem>>
    %dma_start3A_111 = arith.constant 0 : i32
    %dma_start3A_112 = arith.constant 0 : i32
    %dma_start3A_113 = tpu.memref_slice %arg5[%dma_start3A_111, %dma_start3A_112] : memref<1000x128xf32, #tpu.memory_space<vmem_shared>> -> memref<1000x128xf32, #tpu.memory_space<vmem_shared>>
    %dma_start3A_114 = tpu.memref_slice %arg8[%dma_start3A_105] : memref<18x!tpu.dma_semaphore, #tpu.memory_space<semaphore_mem>> -> memref<1x!tpu.dma_semaphore, #tpu.memory_space<semaphore_mem>>
    %dma_start3A_115 = tpu.memref_squeeze %dma_start3A_114 : memref<1x!tpu.dma_semaphore, #tpu.memory_space<semaphore_mem>> -> memref<!tpu.dma_semaphore, #tpu.memory_space<semaphore_mem>>
    tpu.enqueue_indirect_dma source(%dma_start3A_113 : memref<1000x128xf32, #tpu.memory_space<vmem_shared>>) target(%dma_start3A_108 : memref<64x128xf32, #tpu.memory_space<vmem>>) offsets(%dma_start3A_110 : memref<64xi32, #tpu.memory_space<vmem>>) semaphore(%dma_start3A_115 : memref<!tpu.dma_semaphore, #tpu.memory_space<semaphore_mem>>)
    %dma_wait3A_116 = arith.constant 0 : i32
    %dma_wait3A_117 = arith.constant 0 : i32
    %dma_wait3A_118 = arith.constant 0 : i32
    %dma_wait3A_119 = tpu.memref_slice %arg7[%dma_wait3A_117, %dma_wait3A_118] : memref<512x128xf32, #tpu.memory_space<vmem>> -> memref<64x128xf32, #tpu.memory_space<vmem>>
    %dma_wait3A_120 = arith.constant 0 : i32
    %dma_wait3A_121 = tpu.memref_slice %arg6[%dma_wait3A_120] : memref<512xi32, #tpu.memory_space<vmem>> -> memref<64xi32, #tpu.memory_space<vmem>>
    %dma_wait3A_122 = arith.constant 0 : i32
    %dma_wait3A_123 = arith.constant 0 : i32
    %dma_wait3A_124 = tpu.memref_slice %arg5[%dma_wait3A_122, %dma_wait3A_123] : memref<1000x128xf32, #tpu.memory_space<vmem_shared>> -> memref<1000x128xf32, #tpu.memory_space<vmem_shared>>
    %dma_wait3A_125 = tpu.memref_slice %arg8[%dma_wait3A_116] : memref<18x!tpu.dma_semaphore, #tpu.memory_space<semaphore_mem>> -> memref<1x!tpu.dma_semaphore, #tpu.memory_space<semaphore_mem>>
    %dma_wait3A_126 = tpu.memref_squeeze %dma_wait3A_125 : memref<1x!tpu.dma_semaphore, #tpu.memory_space<semaphore_mem>> -> memref<!tpu.dma_semaphore, #tpu.memory_space<semaphore_mem>>
    tpu.wait_indirect_dma semaphore(%dma_wait3A_126 : memref<!tpu.dma_semaphore, #tpu.memory_space<semaphore_mem>>) src(%dma_wait3A_124 : memref<1000x128xf32, #tpu.memory_space<vmem_shared>>) dst(%dma_wait3A_119 : memref<64x128xf32, #tpu.memory_space<vmem>>)
    %add3A_127 = arith.constant 0 : i32
    %add3A_128 = arith.addi %mul3A_2, %add3A_127 : i32
    %dma_start3A_129 = arith.constant 8 : i32
    %dma_start3A_130 = arith.constant 0 : i32
    %dma_start3A_131 = arith.constant 0 : i32
    %dma_start3A_132 = tpu.memref_slice %arg7[%dma_start3A_130, %dma_start3A_131] : memref<512x128xf32, #tpu.memory_space<vmem>> -> memref<64x128xf32, #tpu.memory_space<vmem>>
    %dma_start3A_133 = arith.constant 0 : i32
    %dma_start3A_134 = tpu.memref_slice %arg4[%add3A_128, %dma_start3A_133] : memref<16384x128xf32, #tpu.memory_space<hbm>> -> memref<64x128xf32, #tpu.memory_space<hbm>>
    %dma_start3A_135 = tpu.memref_slice %arg8[%dma_start3A_129] : memref<18x!tpu.dma_semaphore, #tpu.memory_space<semaphore_mem>> -> memref<1x!tpu.dma_semaphore, #tpu.memory_space<semaphore_mem>>
    %dma_start3A_136 = tpu.memref_squeeze %dma_start3A_135 : memref<1x!tpu.dma_semaphore, #tpu.memory_space<semaphore_mem>> -> memref<!tpu.dma_semaphore, #tpu.memory_space<semaphore_mem>>
    %dma_start3A_137 = arith.constant 0 : i32
    %dma_start3A_138 = tpu.memref_slice %arg4[%add3A_128, %dma_start3A_137] : memref<16384x128xf32, #tpu.memory_space<hbm>> -> memref<64x128xf32, #tpu.memory_space<hbm>>
    %dma_start3A_139 = arith.constant 0 : i32
    %dma_start3A_140 = arith.constant 0 : i32
    %dma_start3A_141 = tpu.memref_slice %arg7[%dma_start3A_139, %dma_start3A_140] : memref<512x128xf32, #tpu.memory_space<vmem>> -> memref<64x128xf32, #tpu.memory_space<vmem>>
    tpu.enqueue_dma source(%dma_start3A_141 : memref<64x128xf32, #tpu.memory_space<vmem>>) target(%dma_start3A_138 : memref<64x128xf32, #tpu.memory_space<hbm>>) target_semaphore(%dma_start3A_136 : memref<!tpu.dma_semaphore, #tpu.memory_space<semaphore_mem>>)
    %dma_wait3A_142 = arith.constant 1 : i32
    %dma_wait3A_143 = arith.constant 64 : i32
    %dma_wait3A_144 = arith.constant 0 : i32
    %dma_wait3A_145 = tpu.memref_slice %arg7[%dma_wait3A_143, %dma_wait3A_144] : memref<512x128xf32, #tpu.memory_space<vmem>> -> memref<64x128xf32, #tpu.memory_space<vmem>>
    %dma_wait3A_146 = arith.constant 64 : i32
    %dma_wait3A_147 = tpu.memref_slice %arg6[%dma_wait3A_146] : memref<512xi32, #tpu.memory_space<vmem>> -> memref<64xi32, #tpu.memory_space<vmem>>
    %dma_wait3A_148 = arith.constant 0 : i32
    %dma_wait3A_149 = arith.constant 0 : i32
    %dma_wait3A_150 = tpu.memref_slice %arg5[%dma_wait3A_148, %dma_wait3A_149] : memref<1000x128xf32, #tpu.memory_space<vmem_shared>> -> memref<1000x128xf32, #tpu.memory_space<vmem_shared>>
    %dma_wait3A_151 = tpu.memref_slice %arg8[%dma_wait3A_142] : memref<18x!tpu.dma_semaphore, #tpu.memory_space<semaphore_mem>> -> memref<1x!tpu.dma_semaphore, #tpu.memory_space<semaphore_mem>>
    %dma_wait3A_152 = tpu.memref_squeeze %dma_wait3A_151 : memref<1x!tpu.dma_semaphore, #tpu.memory_space<semaphore_mem>> -> memref<!tpu.dma_semaphore, #tpu.memory_space<semaphore_mem>>
    tpu.wait_indirect_dma semaphore(%dma_wait3A_152 : memref<!tpu.dma_semaphore, #tpu.memory_space<semaphore_mem>>) src(%dma_wait3A_150 : memref<1000x128xf32, #tpu.memory_space<vmem_shared>>) dst(%dma_wait3A_145 : memref<64x128xf32, #tpu.memory_space<vmem>>)
    %add3A_153 = arith.constant 64 : i32
    %add3A_154 = arith.addi %mul3A_2, %add3A_153 : i32
    %dma_start3A_155 = arith.constant 9 : i32
    %dma_start3A_156 = arith.constant 64 : i32
    %dma_start3A_157 = arith.constant 0 : i32
    %dma_start3A_158 = tpu.memref_slice %arg7[%dma_start3A_156, %dma_start3A_157] : memref<512x128xf32, #tpu.memory_space<vmem>> -> memref<64x128xf32, #tpu.memory_space<vmem>>
    %dma_start3A_159 = arith.constant 0 : i32
    %dma_start3A_160 = tpu.memref_slice %arg4[%add3A_154, %dma_start3A_159] : memref<16384x128xf32, #tpu.memory_space<hbm>> -> memref<64x128xf32, #tpu.memory_space<hbm>>
    %dma_start3A_161 = tpu.memref_slice %arg8[%dma_start3A_155] : memref<18x!tpu.dma_semaphore, #tpu.memory_space<semaphore_mem>> -> memref<1x!tpu.dma_semaphore, #tpu.memory_space<semaphore_mem>>
    %dma_start3A_162 = tpu.memref_squeeze %dma_start3A_161 : memref<1x!tpu.dma_semaphore, #tpu.memory_space<semaphore_mem>> -> memref<!tpu.dma_semaphore, #tpu.memory_space<semaphore_mem>>
    %dma_start3A_163 = arith.constant 0 : i32
    %dma_start3A_164 = tpu.memref_slice %arg4[%add3A_154, %dma_start3A_163] : memref<16384x128xf32, #tpu.memory_space<hbm>> -> memref<64x128xf32, #tpu.memory_space<hbm>>
    %dma_start3A_165 = arith.constant 64 : i32
    %dma_start3A_166 = arith.constant 0 : i32
    %dma_start3A_167 = tpu.memref_slice %arg7[%dma_start3A_165, %dma_start3A_166] : memref<512x128xf32, #tpu.memory_space<vmem>> -> memref<64x128xf32, #tpu.memory_space<vmem>>
    tpu.enqueue_dma source(%dma_start3A_167 : memref<64x128xf32, #tpu.memory_space<vmem>>) target(%dma_start3A_164 : memref<64x128xf32, #tpu.memory_space<hbm>>) target_semaphore(%dma_start3A_162 : memref<!tpu.dma_semaphore, #tpu.memory_space<semaphore_mem>>)
    %dma_wait3A_168 = arith.constant 2 : i32
    %dma_wait3A_169 = arith.constant 128 : i32
    %dma_wait3A_170 = arith.constant 0 : i32
    %dma_wait3A_171 = tpu.memref_slice %arg7[%dma_wait3A_169, %dma_wait3A_170] : memref<512x128xf32, #tpu.memory_space<vmem>> -> memref<64x128xf32, #tpu.memory_space<vmem>>
    %dma_wait3A_172 = arith.constant 128 : i32
    %dma_wait3A_173 = tpu.memref_slice %arg6[%dma_wait3A_172] : memref<512xi32, #tpu.memory_space<vmem>> -> memref<64xi32, #tpu.memory_space<vmem>>
    %dma_wait3A_174 = arith.constant 0 : i32
    %dma_wait3A_175 = arith.constant 0 : i32
    %dma_wait3A_176 = tpu.memref_slice %arg5[%dma_wait3A_174, %dma_wait3A_175] : memref<1000x128xf32, #tpu.memory_space<vmem_shared>> -> memref<1000x128xf32, #tpu.memory_space<vmem_shared>>
    %dma_wait3A_177 = tpu.memref_slice %arg8[%dma_wait3A_168] : memref<18x!tpu.dma_semaphore, #tpu.memory_space<semaphore_mem>> -> memref<1x!tpu.dma_semaphore, #tpu.memory_space<semaphore_mem>>
    %dma_wait3A_178 = tpu.memref_squeeze %dma_wait3A_177 : memref<1x!tpu.dma_semaphore, #tpu.memory_space<semaphore_mem>> -> memref<!tpu.dma_semaphore, #tpu.memory_space<semaphore_mem>>
    tpu.wait_indirect_dma semaphore(%dma_wait3A_178 : memref<!tpu.dma_semaphore, #tpu.memory_space<semaphore_mem>>) src(%dma_wait3A_176 : memref<1000x128xf32, #tpu.memory_space<vmem_shared>>) dst(%dma_wait3A_171 : memref<64x128xf32, #tpu.memory_space<vmem>>)
    %add3A_179 = arith.constant 128 : i32
    %add3A_180 = arith.addi %mul3A_2, %add3A_179 : i32
    %dma_start3A_181 = arith.constant 10 : i32
    %dma_start3A_182 = arith.constant 128 : i32
    %dma_start3A_183 = arith.constant 0 : i32
    %dma_start3A_184 = tpu.memref_slice %arg7[%dma_start3A_182, %dma_start3A_183] : memref<512x128xf32, #tpu.memory_space<vmem>> -> memref<64x128xf32, #tpu.memory_space<vmem>>
    %dma_start3A_185 = arith.constant 0 : i32
    %dma_start3A_186 = tpu.memref_slice %arg4[%add3A_180, %dma_start3A_185] : memref<16384x128xf32, #tpu.memory_space<hbm>> -> memref<64x128xf32, #tpu.memory_space<hbm>>
    %dma_start3A_187 = tpu.memref_slice %arg8[%dma_start3A_181] : memref<18x!tpu.dma_semaphore, #tpu.memory_space<semaphore_mem>> -> memref<1x!tpu.dma_semaphore, #tpu.memory_space<semaphore_mem>>
    %dma_start3A_188 = tpu.memref_squeeze %dma_start3A_187 : memref<1x!tpu.dma_semaphore, #tpu.memory_space<semaphore_mem>> -> memref<!tpu.dma_semaphore, #tpu.memory_space<semaphore_mem>>
    %dma_start3A_189 = arith.constant 0 : i32
    %dma_start3A_190 = tpu.memref_slice %arg4[%add3A_180, %dma_start3A_189] : memref<16384x128xf32, #tpu.memory_space<hbm>> -> memref<64x128xf32, #tpu.memory_space<hbm>>
    %dma_start3A_191 = arith.constant 128 : i32
    %dma_start3A_192 = arith.constant 0 : i32
    %dma_start3A_193 = tpu.memref_slice %arg7[%dma_start3A_191, %dma_start3A_192] : memref<512x128xf32, #tpu.memory_space<vmem>> -> memref<64x128xf32, #tpu.memory_space<vmem>>
    tpu.enqueue_dma source(%dma_start3A_193 : memref<64x128xf32, #tpu.memory_space<vmem>>) target(%dma_start3A_190 : memref<64x128xf32, #tpu.memory_space<hbm>>) target_semaphore(%dma_start3A_188 : memref<!tpu.dma_semaphore, #tpu.memory_space<semaphore_mem>>)
    %dma_wait3A_194 = arith.constant 3 : i32
    %dma_wait3A_195 = arith.constant 192 : i32
    %dma_wait3A_196 = arith.constant 0 : i32
    %dma_wait3A_197 = tpu.memref_slice %arg7[%dma_wait3A_195, %dma_wait3A_196] : memref<512x128xf32, #tpu.memory_space<vmem>> -> memref<64x128xf32, #tpu.memory_space<vmem>>
    %dma_wait3A_198 = arith.constant 192 : i32
    %dma_wait3A_199 = tpu.memref_slice %arg6[%dma_wait3A_198] : memref<512xi32, #tpu.memory_space<vmem>> -> memref<64xi32, #tpu.memory_space<vmem>>
    %dma_wait3A_200 = arith.constant 0 : i32
    %dma_wait3A_201 = arith.constant 0 : i32
    %dma_wait3A_202 = tpu.memref_slice %arg5[%dma_wait3A_200, %dma_wait3A_201] : memref<1000x128xf32, #tpu.memory_space<vmem_shared>> -> memref<1000x128xf32, #tpu.memory_space<vmem_shared>>
    %dma_wait3A_203 = tpu.memref_slice %arg8[%dma_wait3A_194] : memref<18x!tpu.dma_semaphore, #tpu.memory_space<semaphore_mem>> -> memref<1x!tpu.dma_semaphore, #tpu.memory_space<semaphore_mem>>
    %dma_wait3A_204 = tpu.memref_squeeze %dma_wait3A_203 : memref<1x!tpu.dma_semaphore, #tpu.memory_space<semaphore_mem>> -> memref<!tpu.dma_semaphore, #tpu.memory_space<semaphore_mem>>
    tpu.wait_indirect_dma semaphore(%dma_wait3A_204 : memref<!tpu.dma_semaphore, #tpu.memory_space<semaphore_mem>>) src(%dma_wait3A_202 : memref<1000x128xf32, #tpu.memory_space<vmem_shared>>) dst(%dma_wait3A_197 : memref<64x128xf32, #tpu.memory_space<vmem>>)
    %add3A_205 = arith.constant 192 : i32
    %add3A_206 = arith.addi %mul3A_2, %add3A_205 : i32
    %dma_start3A_207 = arith.constant 11 : i32
    %dma_start3A_208 = arith.constant 192 : i32
    %dma_start3A_209 = arith.constant 0 : i32
    %dma_start3A_210 = tpu.memref_slice %arg7[%dma_start3A_208, %dma_start3A_209] : memref<512x128xf32, #tpu.memory_space<vmem>> -> memref<64x128xf32, #tpu.memory_space<vmem>>
    %dma_start3A_211 = arith.constant 0 : i32
    %dma_start3A_212 = tpu.memref_slice %arg4[%add3A_206, %dma_start3A_211] : memref<16384x128xf32, #tpu.memory_space<hbm>> -> memref<64x128xf32, #tpu.memory_space<hbm>>
    %dma_start3A_213 = tpu.memref_slice %arg8[%dma_start3A_207] : memref<18x!tpu.dma_semaphore, #tpu.memory_space<semaphore_mem>> -> memref<1x!tpu.dma_semaphore, #tpu.memory_space<semaphore_mem>>
    %dma_start3A_214 = tpu.memref_squeeze %dma_start3A_213 : memref<1x!tpu.dma_semaphore, #tpu.memory_space<semaphore_mem>> -> memref<!tpu.dma_semaphore, #tpu.memory_space<semaphore_mem>>
    %dma_start3A_215 = arith.constant 0 : i32
    %dma_start3A_216 = tpu.memref_slice %arg4[%add3A_206, %dma_start3A_215] : memref<16384x128xf32, #tpu.memory_space<hbm>> -> memref<64x128xf32, #tpu.memory_space<hbm>>
    %dma_start3A_217 = arith.constant 192 : i32
    %dma_start3A_218 = arith.constant 0 : i32
    %dma_start3A_219 = tpu.memref_slice %arg7[%dma_start3A_217, %dma_start3A_218] : memref<512x128xf32, #tpu.memory_space<vmem>> -> memref<64x128xf32, #tpu.memory_space<vmem>>
    tpu.enqueue_dma source(%dma_start3A_219 : memref<64x128xf32, #tpu.memory_space<vmem>>) target(%dma_start3A_216 : memref<64x128xf32, #tpu.memory_space<hbm>>) target_semaphore(%dma_start3A_214 : memref<!tpu.dma_semaphore, #tpu.memory_space<semaphore_mem>>)
    %dma_wait3A_220 = arith.constant 4 : i32
    %dma_wait3A_221 = arith.constant 256 : i32
    %dma_wait3A_222 = arith.constant 0 : i32
    %dma_wait3A_223 = tpu.memref_slice %arg7[%dma_wait3A_221, %dma_wait3A_222] : memref<512x128xf32, #tpu.memory_space<vmem>> -> memref<64x128xf32, #tpu.memory_space<vmem>>
    %dma_wait3A_224 = arith.constant 256 : i32
    %dma_wait3A_225 = tpu.memref_slice %arg6[%dma_wait3A_224] : memref<512xi32, #tpu.memory_space<vmem>> -> memref<64xi32, #tpu.memory_space<vmem>>
    %dma_wait3A_226 = arith.constant 0 : i32
    %dma_wait3A_227 = arith.constant 0 : i32
    %dma_wait3A_228 = tpu.memref_slice %arg5[%dma_wait3A_226, %dma_wait3A_227] : memref<1000x128xf32, #tpu.memory_space<vmem_shared>> -> memref<1000x128xf32, #tpu.memory_space<vmem_shared>>
    %dma_wait3A_229 = tpu.memref_slice %arg8[%dma_wait3A_220] : memref<18x!tpu.dma_semaphore, #tpu.memory_space<semaphore_mem>> -> memref<1x!tpu.dma_semaphore, #tpu.memory_space<semaphore_mem>>
    %dma_wait3A_230 = tpu.memref_squeeze %dma_wait3A_229 : memref<1x!tpu.dma_semaphore, #tpu.memory_space<semaphore_mem>> -> memref<!tpu.dma_semaphore, #tpu.memory_space<semaphore_mem>>
    tpu.wait_indirect_dma semaphore(%dma_wait3A_230 : memref<!tpu.dma_semaphore, #tpu.memory_space<semaphore_mem>>) src(%dma_wait3A_228 : memref<1000x128xf32, #tpu.memory_space<vmem_shared>>) dst(%dma_wait3A_223 : memref<64x128xf32, #tpu.memory_space<vmem>>)
    %add3A_231 = arith.constant 256 : i32
    %add3A_232 = arith.addi %mul3A_2, %add3A_231 : i32
    %dma_start3A_233 = arith.constant 12 : i32
    %dma_start3A_234 = arith.constant 256 : i32
    %dma_start3A_235 = arith.constant 0 : i32
    %dma_start3A_236 = tpu.memref_slice %arg7[%dma_start3A_234, %dma_start3A_235] : memref<512x128xf32, #tpu.memory_space<vmem>> -> memref<64x128xf32, #tpu.memory_space<vmem>>
    %dma_start3A_237 = arith.constant 0 : i32
    %dma_start3A_238 = tpu.memref_slice %arg4[%add3A_232, %dma_start3A_237] : memref<16384x128xf32, #tpu.memory_space<hbm>> -> memref<64x128xf32, #tpu.memory_space<hbm>>
    %dma_start3A_239 = tpu.memref_slice %arg8[%dma_start3A_233] : memref<18x!tpu.dma_semaphore, #tpu.memory_space<semaphore_mem>> -> memref<1x!tpu.dma_semaphore, #tpu.memory_space<semaphore_mem>>
    %dma_start3A_240 = tpu.memref_squeeze %dma_start3A_239 : memref<1x!tpu.dma_semaphore, #tpu.memory_space<semaphore_mem>> -> memref<!tpu.dma_semaphore, #tpu.memory_space<semaphore_mem>>
    %dma_start3A_241 = arith.constant 0 : i32
    %dma_start3A_242 = tpu.memref_slice %arg4[%add3A_232, %dma_start3A_241] : memref<16384x128xf32, #tpu.memory_space<hbm>> -> memref<64x128xf32, #tpu.memory_space<hbm>>
    %dma_start3A_243 = arith.constant 256 : i32
    %dma_start3A_244 = arith.constant 0 : i32
    %dma_start3A_245 = tpu.memref_slice %arg7[%dma_start3A_243, %dma_start3A_244] : memref<512x128xf32, #tpu.memory_space<vmem>> -> memref<64x128xf32, #tpu.memory_space<vmem>>
    tpu.enqueue_dma source(%dma_start3A_245 : memref<64x128xf32, #tpu.memory_space<vmem>>) target(%dma_start3A_242 : memref<64x128xf32, #tpu.memory_space<hbm>>) target_semaphore(%dma_start3A_240 : memref<!tpu.dma_semaphore, #tpu.memory_space<semaphore_mem>>)
    %dma_wait3A_246 = arith.constant 5 : i32
    %dma_wait3A_247 = arith.constant 320 : i32
    %dma_wait3A_248 = arith.constant 0 : i32
    %dma_wait3A_249 = tpu.memref_slice %arg7[%dma_wait3A_247, %dma_wait3A_248] : memref<512x128xf32, #tpu.memory_space<vmem>> -> memref<64x128xf32, #tpu.memory_space<vmem>>
    %dma_wait3A_250 = arith.constant 320 : i32
    %dma_wait3A_251 = tpu.memref_slice %arg6[%dma_wait3A_250] : memref<512xi32, #tpu.memory_space<vmem>> -> memref<64xi32, #tpu.memory_space<vmem>>
    %dma_wait3A_252 = arith.constant 0 : i32
    %dma_wait3A_253 = arith.constant 0 : i32
    %dma_wait3A_254 = tpu.memref_slice %arg5[%dma_wait3A_252, %dma_wait3A_253] : memref<1000x128xf32, #tpu.memory_space<vmem_shared>> -> memref<1000x128xf32, #tpu.memory_space<vmem_shared>>
    %dma_wait3A_255 = tpu.memref_slice %arg8[%dma_wait3A_246] : memref<18x!tpu.dma_semaphore, #tpu.memory_space<semaphore_mem>> -> memref<1x!tpu.dma_semaphore, #tpu.memory_space<semaphore_mem>>
    %dma_wait3A_256 = tpu.memref_squeeze %dma_wait3A_255 : memref<1x!tpu.dma_semaphore, #tpu.memory_space<semaphore_mem>> -> memref<!tpu.dma_semaphore, #tpu.memory_space<semaphore_mem>>
    tpu.wait_indirect_dma semaphore(%dma_wait3A_256 : memref<!tpu.dma_semaphore, #tpu.memory_space<semaphore_mem>>) src(%dma_wait3A_254 : memref<1000x128xf32, #tpu.memory_space<vmem_shared>>) dst(%dma_wait3A_249 : memref<64x128xf32, #tpu.memory_space<vmem>>)
    %add3A_257 = arith.constant 320 : i32
    %add3A_258 = arith.addi %mul3A_2, %add3A_257 : i32
    %dma_start3A_259 = arith.constant 13 : i32
    %dma_start3A_260 = arith.constant 320 : i32
    %dma_start3A_261 = arith.constant 0 : i32
    %dma_start3A_262 = tpu.memref_slice %arg7[%dma_start3A_260, %dma_start3A_261] : memref<512x128xf32, #tpu.memory_space<vmem>> -> memref<64x128xf32, #tpu.memory_space<vmem>>
    %dma_start3A_263 = arith.constant 0 : i32
    %dma_start3A_264 = tpu.memref_slice %arg4[%add3A_258, %dma_start3A_263] : memref<16384x128xf32, #tpu.memory_space<hbm>> -> memref<64x128xf32, #tpu.memory_space<hbm>>
    %dma_start3A_265 = tpu.memref_slice %arg8[%dma_start3A_259] : memref<18x!tpu.dma_semaphore, #tpu.memory_space<semaphore_mem>> -> memref<1x!tpu.dma_semaphore, #tpu.memory_space<semaphore_mem>>
    %dma_start3A_266 = tpu.memref_squeeze %dma_start3A_265 : memref<1x!tpu.dma_semaphore, #tpu.memory_space<semaphore_mem>> -> memref<!tpu.dma_semaphore, #tpu.memory_space<semaphore_mem>>
    %dma_start3A_267 = arith.constant 0 : i32
    %dma_start3A_268 = tpu.memref_slice %arg4[%add3A_258, %dma_start3A_267] : memref<16384x128xf32, #tpu.memory_space<hbm>> -> memref<64x128xf32, #tpu.memory_space<hbm>>
    %dma_start3A_269 = arith.constant 320 : i32
    %dma_start3A_270 = arith.constant 0 : i32
    %dma_start3A_271 = tpu.memref_slice %arg7[%dma_start3A_269, %dma_start3A_270] : memref<512x128xf32, #tpu.memory_space<vmem>> -> memref<64x128xf32, #tpu.memory_space<vmem>>
    tpu.enqueue_dma source(%dma_start3A_271 : memref<64x128xf32, #tpu.memory_space<vmem>>) target(%dma_start3A_268 : memref<64x128xf32, #tpu.memory_space<hbm>>) target_semaphore(%dma_start3A_266 : memref<!tpu.dma_semaphore, #tpu.memory_space<semaphore_mem>>)
    %dma_wait3A_272 = arith.constant 6 : i32
    %dma_wait3A_273 = arith.constant 384 : i32
    %dma_wait3A_274 = arith.constant 0 : i32
    %dma_wait3A_275 = tpu.memref_slice %arg7[%dma_wait3A_273, %dma_wait3A_274] : memref<512x128xf32, #tpu.memory_space<vmem>> -> memref<64x128xf32, #tpu.memory_space<vmem>>
    %dma_wait3A_276 = arith.constant 384 : i32
    %dma_wait3A_277 = tpu.memref_slice %arg6[%dma_wait3A_276] : memref<512xi32, #tpu.memory_space<vmem>> -> memref<64xi32, #tpu.memory_space<vmem>>
    %dma_wait3A_278 = arith.constant 0 : i32
    %dma_wait3A_279 = arith.constant 0 : i32
    %dma_wait3A_280 = tpu.memref_slice %arg5[%dma_wait3A_278, %dma_wait3A_279] : memref<1000x128xf32, #tpu.memory_space<vmem_shared>> -> memref<1000x128xf32, #tpu.memory_space<vmem_shared>>
    %dma_wait3A_281 = tpu.memref_slice %arg8[%dma_wait3A_272] : memref<18x!tpu.dma_semaphore, #tpu.memory_space<semaphore_mem>> -> memref<1x!tpu.dma_semaphore, #tpu.memory_space<semaphore_mem>>
    %dma_wait3A_282 = tpu.memref_squeeze %dma_wait3A_281 : memref<1x!tpu.dma_semaphore, #tpu.memory_space<semaphore_mem>> -> memref<!tpu.dma_semaphore, #tpu.memory_space<semaphore_mem>>
    tpu.wait_indirect_dma semaphore(%dma_wait3A_282 : memref<!tpu.dma_semaphore, #tpu.memory_space<semaphore_mem>>) src(%dma_wait3A_280 : memref<1000x128xf32, #tpu.memory_space<vmem_shared>>) dst(%dma_wait3A_275 : memref<64x128xf32, #tpu.memory_space<vmem>>)
    %add3A_283 = arith.constant 384 : i32
    %add3A_284 = arith.addi %mul3A_2, %add3A_283 : i32
    %dma_start3A_285 = arith.constant 14 : i32
    %dma_start3A_286 = arith.constant 384 : i32
    %dma_start3A_287 = arith.constant 0 : i32
    %dma_start3A_288 = tpu.memref_slice %arg7[%dma_start3A_286, %dma_start3A_287] : memref<512x128xf32, #tpu.memory_space<vmem>> -> memref<64x128xf32, #tpu.memory_space<vmem>>
    %dma_start3A_289 = arith.constant 0 : i32
    %dma_start3A_290 = tpu.memref_slice %arg4[%add3A_284, %dma_start3A_289] : memref<16384x128xf32, #tpu.memory_space<hbm>> -> memref<64x128xf32, #tpu.memory_space<hbm>>
    %dma_start3A_291 = tpu.memref_slice %arg8[%dma_start3A_285] : memref<18x!tpu.dma_semaphore, #tpu.memory_space<semaphore_mem>> -> memref<1x!tpu.dma_semaphore, #tpu.memory_space<semaphore_mem>>
    %dma_start3A_292 = tpu.memref_squeeze %dma_start3A_291 : memref<1x!tpu.dma_semaphore, #tpu.memory_space<semaphore_mem>> -> memref<!tpu.dma_semaphore, #tpu.memory_space<semaphore_mem>>
    %dma_start3A_293 = arith.constant 0 : i32
    %dma_start3A_294 = tpu.memref_slice %arg4[%add3A_284, %dma_start3A_293] : memref<16384x128xf32, #tpu.memory_space<hbm>> -> memref<64x128xf32, #tpu.memory_space<hbm>>
    %dma_start3A_295 = arith.constant 384 : i32
    %dma_start3A_296 = arith.constant 0 : i32
    %dma_start3A_297 = tpu.memref_slice %arg7[%dma_start3A_295, %dma_start3A_296] : memref<512x128xf32, #tpu.memory_space<vmem>> -> memref<64x128xf32, #tpu.memory_space<vmem>>
    tpu.enqueue_dma source(%dma_start3A_297 : memref<64x128xf32, #tpu.memory_space<vmem>>) target(%dma_start3A_294 : memref<64x128xf32, #tpu.memory_space<hbm>>) target_semaphore(%dma_start3A_292 : memref<!tpu.dma_semaphore, #tpu.memory_space<semaphore_mem>>)
    %dma_wait3A_298 = arith.constant 7 : i32
    %dma_wait3A_299 = arith.constant 448 : i32
    %dma_wait3A_300 = arith.constant 0 : i32
    %dma_wait3A_301 = tpu.memref_slice %arg7[%dma_wait3A_299, %dma_wait3A_300] : memref<512x128xf32, #tpu.memory_space<vmem>> -> memref<64x128xf32, #tpu.memory_space<vmem>>
    %dma_wait3A_302 = arith.constant 448 : i32
    %dma_wait3A_303 = tpu.memref_slice %arg6[%dma_wait3A_302] : memref<512xi32, #tpu.memory_space<vmem>> -> memref<64xi32, #tpu.memory_space<vmem>>
    %dma_wait3A_304 = arith.constant 0 : i32
    %dma_wait3A_305 = arith.constant 0 : i32
    %dma_wait3A_306 = tpu.memref_slice %arg5[%dma_wait3A_304, %dma_wait3A_305] : memref<1000x128xf32, #tpu.memory_space<vmem_shared>> -> memref<1000x128xf32, #tpu.memory_space<vmem_shared>>
    %dma_wait3A_307 = tpu.memref_slice %arg8[%dma_wait3A_298] : memref<18x!tpu.dma_semaphore, #tpu.memory_space<semaphore_mem>> -> memref<1x!tpu.dma_semaphore, #tpu.memory_space<semaphore_mem>>
    %dma_wait3A_308 = tpu.memref_squeeze %dma_wait3A_307 : memref<1x!tpu.dma_semaphore, #tpu.memory_space<semaphore_mem>> -> memref<!tpu.dma_semaphore, #tpu.memory_space<semaphore_mem>>
    tpu.wait_indirect_dma semaphore(%dma_wait3A_308 : memref<!tpu.dma_semaphore, #tpu.memory_space<semaphore_mem>>) src(%dma_wait3A_306 : memref<1000x128xf32, #tpu.memory_space<vmem_shared>>) dst(%dma_wait3A_301 : memref<64x128xf32, #tpu.memory_space<vmem>>)
    %add3A_309 = arith.constant 448 : i32
    %add3A_310 = arith.addi %mul3A_2, %add3A_309 : i32
    %dma_start3A_311 = arith.constant 15 : i32
    %dma_start3A_312 = arith.constant 448 : i32
    %dma_start3A_313 = arith.constant 0 : i32
    %dma_start3A_314 = tpu.memref_slice %arg7[%dma_start3A_312, %dma_start3A_313] : memref<512x128xf32, #tpu.memory_space<vmem>> -> memref<64x128xf32, #tpu.memory_space<vmem>>
    %dma_start3A_315 = arith.constant 0 : i32
    %dma_start3A_316 = tpu.memref_slice %arg4[%add3A_310, %dma_start3A_315] : memref<16384x128xf32, #tpu.memory_space<hbm>> -> memref<64x128xf32, #tpu.memory_space<hbm>>
    %dma_start3A_317 = tpu.memref_slice %arg8[%dma_start3A_311] : memref<18x!tpu.dma_semaphore, #tpu.memory_space<semaphore_mem>> -> memref<1x!tpu.dma_semaphore, #tpu.memory_space<semaphore_mem>>
    %dma_start3A_318 = tpu.memref_squeeze %dma_start3A_317 : memref<1x!tpu.dma_semaphore, #tpu.memory_space<semaphore_mem>> -> memref<!tpu.dma_semaphore, #tpu.memory_space<semaphore_mem>>
    %dma_start3A_319 = arith.constant 0 : i32
    %dma_start3A_320 = tpu.memref_slice %arg4[%add3A_310, %dma_start3A_319] : memref<16384x128xf32, #tpu.memory_space<hbm>> -> memref<64x128xf32, #tpu.memory_space<hbm>>
    %dma_start3A_321 = arith.constant 448 : i32
    %dma_start3A_322 = arith.constant 0 : i32
    %dma_start3A_323 = tpu.memref_slice %arg7[%dma_start3A_321, %dma_start3A_322] : memref<512x128xf32, #tpu.memory_space<vmem>> -> memref<64x128xf32, #tpu.memory_space<vmem>>
    tpu.enqueue_dma source(%dma_start3A_323 : memref<64x128xf32, #tpu.memory_space<vmem>>) target(%dma_start3A_320 : memref<64x128xf32, #tpu.memory_space<hbm>>) target_semaphore(%dma_start3A_318 : memref<!tpu.dma_semaphore, #tpu.memory_space<semaphore_mem>>)
    %dma_wait3A_324 = arith.constant 8 : i32
    %dma_wait3A_325 = arith.constant 0 : i32
    %dma_wait3A_326 = arith.constant 0 : i32
    %dma_wait3A_327 = tpu.memref_slice %arg7[%dma_wait3A_325, %dma_wait3A_326] : memref<512x128xf32, #tpu.memory_space<vmem>> -> memref<64x128xf32, #tpu.memory_space<vmem>>
    %dma_wait3A_328 = arith.constant 0 : i32
    %dma_wait3A_329 = tpu.memref_slice %arg4[%add3A_128, %dma_wait3A_328] : memref<16384x128xf32, #tpu.memory_space<hbm>> -> memref<64x128xf32, #tpu.memory_space<hbm>>
    %dma_wait3A_330 = tpu.memref_slice %arg8[%dma_wait3A_324] : memref<18x!tpu.dma_semaphore, #tpu.memory_space<semaphore_mem>> -> memref<1x!tpu.dma_semaphore, #tpu.memory_space<semaphore_mem>>
    %dma_wait3A_331 = tpu.memref_squeeze %dma_wait3A_330 : memref<1x!tpu.dma_semaphore, #tpu.memory_space<semaphore_mem>> -> memref<!tpu.dma_semaphore, #tpu.memory_space<semaphore_mem>>
    %dma_wait3A_332 = arith.constant 0 : i32
    %dma_wait3A_333 = tpu.memref_slice %arg4[%add3A_128, %dma_wait3A_332] : memref<16384x128xf32, #tpu.memory_space<hbm>> -> memref<64x128xf32, #tpu.memory_space<hbm>>
    %dma_wait3A_334 = arith.constant 0 : i32
    %dma_wait3A_335 = arith.constant 0 : i32
    %dma_wait3A_336 = tpu.memref_slice %arg7[%dma_wait3A_334, %dma_wait3A_335] : memref<512x128xf32, #tpu.memory_space<vmem>> -> memref<64x128xf32, #tpu.memory_space<vmem>>
    tpu.wait_dma2 semaphore(%dma_wait3A_331 : memref<!tpu.dma_semaphore, #tpu.memory_space<semaphore_mem>>) src(%dma_wait3A_336 : memref<64x128xf32, #tpu.memory_space<vmem>>) dst(%dma_wait3A_333 : memref<64x128xf32, #tpu.memory_space<hbm>>)
    %dma_wait3A_337 = arith.constant 9 : i32
    %dma_wait3A_338 = arith.constant 64 : i32
    %dma_wait3A_339 = arith.constant 0 : i32
    %dma_wait3A_340 = tpu.memref_slice %arg7[%dma_wait3A_338, %dma_wait3A_339] : memref<512x128xf32, #tpu.memory_space<vmem>> -> memref<64x128xf32, #tpu.memory_space<vmem>>
    %dma_wait3A_341 = arith.constant 0 : i32
    %dma_wait3A_342 = tpu.memref_slice %arg4[%add3A_154, %dma_wait3A_341] : memref<16384x128xf32, #tpu.memory_space<hbm>> -> memref<64x128xf32, #tpu.memory_space<hbm>>
    %dma_wait3A_343 = tpu.memref_slice %arg8[%dma_wait3A_337] : memref<18x!tpu.dma_semaphore, #tpu.memory_space<semaphore_mem>> -> memref<1x!tpu.dma_semaphore, #tpu.memory_space<semaphore_mem>>
    %dma_wait3A_344 = tpu.memref_squeeze %dma_wait3A_343 : memref<1x!tpu.dma_semaphore, #tpu.memory_space<semaphore_mem>> -> memref<!tpu.dma_semaphore, #tpu.memory_space<semaphore_mem>>
    %dma_wait3A_345 = arith.constant 0 : i32
    %dma_wait3A_346 = tpu.memref_slice %arg4[%add3A_154, %dma_wait3A_345] : memref<16384x128xf32, #tpu.memory_space<hbm>> -> memref<64x128xf32, #tpu.memory_space<hbm>>
    %dma_wait3A_347 = arith.constant 64 : i32
    %dma_wait3A_348 = arith.constant 0 : i32
    %dma_wait3A_349 = tpu.memref_slice %arg7[%dma_wait3A_347, %dma_wait3A_348] : memref<512x128xf32, #tpu.memory_space<vmem>> -> memref<64x128xf32, #tpu.memory_space<vmem>>
    tpu.wait_dma2 semaphore(%dma_wait3A_344 : memref<!tpu.dma_semaphore, #tpu.memory_space<semaphore_mem>>) src(%dma_wait3A_349 : memref<64x128xf32, #tpu.memory_space<vmem>>) dst(%dma_wait3A_346 : memref<64x128xf32, #tpu.memory_space<hbm>>)
    %dma_wait3A_350 = arith.constant 10 : i32
    %dma_wait3A_351 = arith.constant 128 : i32
    %dma_wait3A_352 = arith.constant 0 : i32
    %dma_wait3A_353 = tpu.memref_slice %arg7[%dma_wait3A_351, %dma_wait3A_352] : memref<512x128xf32, #tpu.memory_space<vmem>> -> memref<64x128xf32, #tpu.memory_space<vmem>>
    %dma_wait3A_354 = arith.constant 0 : i32
    %dma_wait3A_355 = tpu.memref_slice %arg4[%add3A_180, %dma_wait3A_354] : memref<16384x128xf32, #tpu.memory_space<hbm>> -> memref<64x128xf32, #tpu.memory_space<hbm>>
    %dma_wait3A_356 = tpu.memref_slice %arg8[%dma_wait3A_350] : memref<18x!tpu.dma_semaphore, #tpu.memory_space<semaphore_mem>> -> memref<1x!tpu.dma_semaphore, #tpu.memory_space<semaphore_mem>>
    %dma_wait3A_357 = tpu.memref_squeeze %dma_wait3A_356 : memref<1x!tpu.dma_semaphore, #tpu.memory_space<semaphore_mem>> -> memref<!tpu.dma_semaphore, #tpu.memory_space<semaphore_mem>>
    %dma_wait3A_358 = arith.constant 0 : i32
    %dma_wait3A_359 = tpu.memref_slice %arg4[%add3A_180, %dma_wait3A_358] : memref<16384x128xf32, #tpu.memory_space<hbm>> -> memref<64x128xf32, #tpu.memory_space<hbm>>
    %dma_wait3A_360 = arith.constant 128 : i32
    %dma_wait3A_361 = arith.constant 0 : i32
    %dma_wait3A_362 = tpu.memref_slice %arg7[%dma_wait3A_360, %dma_wait3A_361] : memref<512x128xf32, #tpu.memory_space<vmem>> -> memref<64x128xf32, #tpu.memory_space<vmem>>
    tpu.wait_dma2 semaphore(%dma_wait3A_357 : memref<!tpu.dma_semaphore, #tpu.memory_space<semaphore_mem>>) src(%dma_wait3A_362 : memref<64x128xf32, #tpu.memory_space<vmem>>) dst(%dma_wait3A_359 : memref<64x128xf32, #tpu.memory_space<hbm>>)
    %dma_wait3A_363 = arith.constant 11 : i32
    %dma_wait3A_364 = arith.constant 192 : i32
    %dma_wait3A_365 = arith.constant 0 : i32
    %dma_wait3A_366 = tpu.memref_slice %arg7[%dma_wait3A_364, %dma_wait3A_365] : memref<512x128xf32, #tpu.memory_space<vmem>> -> memref<64x128xf32, #tpu.memory_space<vmem>>
    %dma_wait3A_367 = arith.constant 0 : i32
    %dma_wait3A_368 = tpu.memref_slice %arg4[%add3A_206, %dma_wait3A_367] : memref<16384x128xf32, #tpu.memory_space<hbm>> -> memref<64x128xf32, #tpu.memory_space<hbm>>
    %dma_wait3A_369 = tpu.memref_slice %arg8[%dma_wait3A_363] : memref<18x!tpu.dma_semaphore, #tpu.memory_space<semaphore_mem>> -> memref<1x!tpu.dma_semaphore, #tpu.memory_space<semaphore_mem>>
    %dma_wait3A_370 = tpu.memref_squeeze %dma_wait3A_369 : memref<1x!tpu.dma_semaphore, #tpu.memory_space<semaphore_mem>> -> memref<!tpu.dma_semaphore, #tpu.memory_space<semaphore_mem>>
    %dma_wait3A_371 = arith.constant 0 : i32
    %dma_wait3A_372 = tpu.memref_slice %arg4[%add3A_206, %dma_wait3A_371] : memref<16384x128xf32, #tpu.memory_space<hbm>> -> memref<64x128xf32, #tpu.memory_space<hbm>>
    %dma_wait3A_373 = arith.constant 192 : i32
    %dma_wait3A_374 = arith.constant 0 : i32
    %dma_wait3A_375 = tpu.memref_slice %arg7[%dma_wait3A_373, %dma_wait3A_374] : memref<512x128xf32, #tpu.memory_space<vmem>> -> memref<64x128xf32, #tpu.memory_space<vmem>>
    tpu.wait_dma2 semaphore(%dma_wait3A_370 : memref<!tpu.dma_semaphore, #tpu.memory_space<semaphore_mem>>) src(%dma_wait3A_375 : memref<64x128xf32, #tpu.memory_space<vmem>>) dst(%dma_wait3A_372 : memref<64x128xf32, #tpu.memory_space<hbm>>)
    %dma_wait3A_376 = arith.constant 12 : i32
    %dma_wait3A_377 = arith.constant 256 : i32
    %dma_wait3A_378 = arith.constant 0 : i32
    %dma_wait3A_379 = tpu.memref_slice %arg7[%dma_wait3A_377, %dma_wait3A_378] : memref<512x128xf32, #tpu.memory_space<vmem>> -> memref<64x128xf32, #tpu.memory_space<vmem>>
    %dma_wait3A_380 = arith.constant 0 : i32
    %dma_wait3A_381 = tpu.memref_slice %arg4[%add3A_232, %dma_wait3A_380] : memref<16384x128xf32, #tpu.memory_space<hbm>> -> memref<64x128xf32, #tpu.memory_space<hbm>>
    %dma_wait3A_382 = tpu.memref_slice %arg8[%dma_wait3A_376] : memref<18x!tpu.dma_semaphore, #tpu.memory_space<semaphore_mem>> -> memref<1x!tpu.dma_semaphore, #tpu.memory_space<semaphore_mem>>
    %dma_wait3A_383 = tpu.memref_squeeze %dma_wait3A_382 : memref<1x!tpu.dma_semaphore, #tpu.memory_space<semaphore_mem>> -> memref<!tpu.dma_semaphore, #tpu.memory_space<semaphore_mem>>
    %dma_wait3A_384 = arith.constant 0 : i32
    %dma_wait3A_385 = tpu.memref_slice %arg4[%add3A_232, %dma_wait3A_384] : memref<16384x128xf32, #tpu.memory_space<hbm>> -> memref<64x128xf32, #tpu.memory_space<hbm>>
    %dma_wait3A_386 = arith.constant 256 : i32
    %dma_wait3A_387 = arith.constant 0 : i32
    %dma_wait3A_388 = tpu.memref_slice %arg7[%dma_wait3A_386, %dma_wait3A_387] : memref<512x128xf32, #tpu.memory_space<vmem>> -> memref<64x128xf32, #tpu.memory_space<vmem>>
    tpu.wait_dma2 semaphore(%dma_wait3A_383 : memref<!tpu.dma_semaphore, #tpu.memory_space<semaphore_mem>>) src(%dma_wait3A_388 : memref<64x128xf32, #tpu.memory_space<vmem>>) dst(%dma_wait3A_385 : memref<64x128xf32, #tpu.memory_space<hbm>>)
    %dma_wait3A_389 = arith.constant 13 : i32
    %dma_wait3A_390 = arith.constant 320 : i32
    %dma_wait3A_391 = arith.constant 0 : i32
    %dma_wait3A_392 = tpu.memref_slice %arg7[%dma_wait3A_390, %dma_wait3A_391] : memref<512x128xf32, #tpu.memory_space<vmem>> -> memref<64x128xf32, #tpu.memory_space<vmem>>
    %dma_wait3A_393 = arith.constant 0 : i32
    %dma_wait3A_394 = tpu.memref_slice %arg4[%add3A_258, %dma_wait3A_393] : memref<16384x128xf32, #tpu.memory_space<hbm>> -> memref<64x128xf32, #tpu.memory_space<hbm>>
    %dma_wait3A_395 = tpu.memref_slice %arg8[%dma_wait3A_389] : memref<18x!tpu.dma_semaphore, #tpu.memory_space<semaphore_mem>> -> memref<1x!tpu.dma_semaphore, #tpu.memory_space<semaphore_mem>>
    %dma_wait3A_396 = tpu.memref_squeeze %dma_wait3A_395 : memref<1x!tpu.dma_semaphore, #tpu.memory_space<semaphore_mem>> -> memref<!tpu.dma_semaphore, #tpu.memory_space<semaphore_mem>>
    %dma_wait3A_397 = arith.constant 0 : i32
    %dma_wait3A_398 = tpu.memref_slice %arg4[%add3A_258, %dma_wait3A_397] : memref<16384x128xf32, #tpu.memory_space<hbm>> -> memref<64x128xf32, #tpu.memory_space<hbm>>
    %dma_wait3A_399 = arith.constant 320 : i32
    %dma_wait3A_400 = arith.constant 0 : i32
    %dma_wait3A_401 = tpu.memref_slice %arg7[%dma_wait3A_399, %dma_wait3A_400] : memref<512x128xf32, #tpu.memory_space<vmem>> -> memref<64x128xf32, #tpu.memory_space<vmem>>
    tpu.wait_dma2 semaphore(%dma_wait3A_396 : memref<!tpu.dma_semaphore, #tpu.memory_space<semaphore_mem>>) src(%dma_wait3A_401 : memref<64x128xf32, #tpu.memory_space<vmem>>) dst(%dma_wait3A_398 : memref<64x128xf32, #tpu.memory_space<hbm>>)
    %dma_wait3A_402 = arith.constant 14 : i32
    %dma_wait3A_403 = arith.constant 384 : i32
    %dma_wait3A_404 = arith.constant 0 : i32
    %dma_wait3A_405 = tpu.memref_slice %arg7[%dma_wait3A_403, %dma_wait3A_404] : memref<512x128xf32, #tpu.memory_space<vmem>> -> memref<64x128xf32, #tpu.memory_space<vmem>>
    %dma_wait3A_406 = arith.constant 0 : i32
    %dma_wait3A_407 = tpu.memref_slice %arg4[%add3A_284, %dma_wait3A_406] : memref<16384x128xf32, #tpu.memory_space<hbm>> -> memref<64x128xf32, #tpu.memory_space<hbm>>
    %dma_wait3A_408 = tpu.memref_slice %arg8[%dma_wait3A_402] : memref<18x!tpu.dma_semaphore, #tpu.memory_space<semaphore_mem>> -> memref<1x!tpu.dma_semaphore, #tpu.memory_space<semaphore_mem>>
    %dma_wait3A_409 = tpu.memref_squeeze %dma_wait3A_408 : memref<1x!tpu.dma_semaphore, #tpu.memory_space<semaphore_mem>> -> memref<!tpu.dma_semaphore, #tpu.memory_space<semaphore_mem>>
    %dma_wait3A_410 = arith.constant 0 : i32
    %dma_wait3A_411 = tpu.memref_slice %arg4[%add3A_284, %dma_wait3A_410] : memref<16384x128xf32, #tpu.memory_space<hbm>> -> memref<64x128xf32, #tpu.memory_space<hbm>>
    %dma_wait3A_412 = arith.constant 384 : i32
    %dma_wait3A_413 = arith.constant 0 : i32
    %dma_wait3A_414 = tpu.memref_slice %arg7[%dma_wait3A_412, %dma_wait3A_413] : memref<512x128xf32, #tpu.memory_space<vmem>> -> memref<64x128xf32, #tpu.memory_space<vmem>>
    tpu.wait_dma2 semaphore(%dma_wait3A_409 : memref<!tpu.dma_semaphore, #tpu.memory_space<semaphore_mem>>) src(%dma_wait3A_414 : memref<64x128xf32, #tpu.memory_space<vmem>>) dst(%dma_wait3A_411 : memref<64x128xf32, #tpu.memory_space<hbm>>)
    %dma_wait3A_415 = arith.constant 15 : i32
    %dma_wait3A_416 = arith.constant 448 : i32
    %dma_wait3A_417 = arith.constant 0 : i32
    %dma_wait3A_418 = tpu.memref_slice %arg7[%dma_wait3A_416, %dma_wait3A_417] : memref<512x128xf32, #tpu.memory_space<vmem>> -> memref<64x128xf32, #tpu.memory_space<vmem>>
    %dma_wait3A_419 = arith.constant 0 : i32
    %dma_wait3A_420 = tpu.memref_slice %arg4[%add3A_310, %dma_wait3A_419] : memref<16384x128xf32, #tpu.memory_space<hbm>> -> memref<64x128xf32, #tpu.memory_space<hbm>>
    %dma_wait3A_421 = tpu.memref_slice %arg8[%dma_wait3A_415] : memref<18x!tpu.dma_semaphore, #tpu.memory_space<semaphore_mem>> -> memref<1x!tpu.dma_semaphore, #tpu.memory_space<semaphore_mem>>
    %dma_wait3A_422 = tpu.memref_squeeze %dma_wait3A_421 : memref<1x!tpu.dma_semaphore, #tpu.memory_space<semaphore_mem>> -> memref<!tpu.dma_semaphore, #tpu.memory_space<semaphore_mem>>
    %dma_wait3A_423 = arith.constant 0 : i32
    %dma_wait3A_424 = tpu.memref_slice %arg4[%add3A_310, %dma_wait3A_423] : memref<16384x128xf32, #tpu.memory_space<hbm>> -> memref<64x128xf32, #tpu.memory_space<hbm>>
    %dma_wait3A_425 = arith.constant 448 : i32
    %dma_wait3A_426 = arith.constant 0 : i32
    %dma_wait3A_427 = tpu.memref_slice %arg7[%dma_wait3A_425, %dma_wait3A_426] : memref<512x128xf32, #tpu.memory_space<vmem>> -> memref<64x128xf32, #tpu.memory_space<vmem>>
    tpu.wait_dma2 semaphore(%dma_wait3A_422 : memref<!tpu.dma_semaphore, #tpu.memory_space<semaphore_mem>>) src(%dma_wait3A_427 : memref<64x128xf32, #tpu.memory_space<vmem>>) dst(%dma_wait3A_424 : memref<64x128xf32, #tpu.memory_space<hbm>>)
    return
  }
}

</mosaic_0001>

<sc_bundles>
// kernel: kernel.3.cloned.1.call-start
scs
__scs_entry_jumppad:
0x0: {  	(pc) =	sbr.rel $0x88, $3  }
0x1: {  	(tag) =	ssettag $0x0;
	lr =	simm.s32 $0x1  }
0x2: {  	[smem:$0x3F9F] =	sst lr;
	_ =	strace $0xD0000000  }
0x3: {  	_ = 	snop  }
0x4: {  	_ = 	snop  }
0x5: {  	_ = 	snop  }
0x6: {  	_ = 	snop  }
0x7: {  	_ = 	snop  }
__scs_overlays_trampoline_lowered:
0x8: {  	[smem:$0x3FAE] =	sst s0  }
0x9: {  	[smem:$0x3FAF] =	sst s1  }
0xa: {  	[smem:$0x3FB0] =	sst s2  }
0xb: {  	[smem:$0x3FB1] =	sst s3  }
0xc: {  	[smem:$0x3FB2] =	sst s4  }
0xd: {  	[smem:$0x3FB3] =	sst s5  }
0xe: {  	[smem:$0x3FB4] =	sst s6  }
0xf: {  	[smem:$0x3FB5] =	sst s7  }
0x10: {  	[smem:$0x3FB6] =	sst s8  }
0x11: {  	[smem:$0x3FB7] =	sst s9;
	s0 =	simm.s32 @!p0 $0x0  }
0x12: {  	s1 =	sld [smem:$0x3F9D];
	s0 =	simm.s32 @p0 $0x1  }
0x13: {  	[smem:$0x3FB8] =	sst s0;
	s0 =	simm.s32 @!p1 $0x0  }
0x14: {  	s2 =	sld [smem:$0x3F9C];
	s0 =	simm.s32 @p1 $0x1  }
0x15: {  	[smem:$0x3FB9] =	sst s0;
	s0 =	simm.s32 @!p2 $0x0  }
0x16: {  	s3 =	sld [smem:$0x3FDB];
	s0 =	simm.s32 @p2 $0x1  }
0x17: {  	s4 =	simm.s32 $0x1BF5;
	[smem:$0x3FBB] =	sst s0  }
0x18: {  	s0 =	sld [smem:$0x3F9E];
	_ =	swait.ge [sflag:s4], $0x0  }
0x19: {  	s7 =	sld [smem:$0x3F9F]  }
0x1a: {  	s8 =	sadd.s32 $0xFFFFE003, lr  }
0x1b: {  	s9 =	sadd.s32 $0xFFFFFEF7, lr;
	s5 =	simm.s32 $0xFFFFFFFF;
	p2 =	slt.u32 s8, $0xFFFFF086  }
0x1c: {  	p1 =	slt.u32 s9, $0xF7A;
	s5 =	simm.s32 @!p2 $0x0  }
0x1d: {  	s5 =	simm.s32 @p1 $0x1;
	p0 =	seq.s32 s7, s2  }
0x1e: {  	s7 =	smul.u32 @!p0 $0xF7A, s2;
	p2 =	seq.s32 @!p0 s5, $0x0  }
0x1f: {  	s9 =	smul.u32 $0xF7A, s1;
	s8 =	simm.s32 @!p0 $0x1BF5;
	p2 =	por !p2, p0  }
0x20: {  	[sflag:s8] =	ssyncset.s32 @!p0 $0xFFFFF086;
	s6 =	sadd.s32 @!p0 s3, s7;
	s7 =	simm.s32 @!p0 $0x108  }
0x21: {  	s3 =	sadd.s32 s3, s9;
	s6 =	sadd.s32 @!p0 $0x88, s6;
	s7 =	simm.s32 @p2 $0x1082  }
0x22: {  	[simem:s7], [sflag:s8] =	dma.local @!p0 [hbm:s6], $0xF7A  }
0x23: {  	s9 =	sor.u32 $0xD0000000, s2;
	s6 =	simm.s32 $0x108;
	_ =	swait.ge @!p0 [sflag:s8], $0x0  }
0x24: {  	s3 =	sadd.s32 $0x88, s3;
	s6 =	simm.s32 @!p1 $0x1082;
	[sflag:s4] =	ssyncset.s32 $0xFFFFF086  }
0x25: {  	[simem:s6], [sflag:s4] =	dma.local [hbm:s3], $0xF7A  }
0x26: {  	[smem:$0x3F9F] =	sst s1;
	(tag) =	ssettag s2;
	_ =	strace s9  }
0x27: {  	s1 =	sld [smem:$0x3FAF]  }
0x28: {  	s2 =	sld [smem:$0x3FB0]  }
0x29: {  	s4 =	sld [smem:$0x3FB2]  }
0x2a: {  	p0 =	seq.s32 s5, $0x0;
	s5 =	sld [smem:$0x3FB3]  }
0x2b: {  	s6 =	sld [smem:$0x3FB4]  }
0x2c: {  	s7 =	sld [smem:$0x3FB5]  }
0x2d: {  	s3 =	simm.s32 $0x108;
	s8 =	sld [smem:$0x3FB6]  }
0x2e: {  	s3 =	simm.s32 @!p0 $0x1082;
	s9 =	sld [smem:$0x3FB7]  }
0x2f: {  	lr =	sadd.s32 s0, s3;
	s0 =	sld [smem:$0x3FAE]  }
0x30: {  	s3 =	sld [smem:$0x3FB1]  }
0x31: {  	[smem:$0x3FBA] =	sst s10  }
0x32: {  	s10 =	sld [smem:$0x3FB8];
	_ =	sdelay $0x3  }
0x33: {  	p0 =	seq.s32 s10, $0x1;
	s10 =	sld [smem:$0x3FBA];
	_ =	sdelay $0x3  }
0x34: {  	[smem:$0x3FBA] =	sst s10  }
0x35: {  	s10 =	sld [smem:$0x3FB9];
	_ =	sdelay $0x3  }
0x36: {  	p1 =	seq.s32 s10, $0x1;
	s10 =	sld [smem:$0x3FBA];
	_ =	sdelay $0x3  }
0x37: {  	[smem:$0x3FBA] =	sst s10  }
0x38: {  	s10 =	sld [smem:$0x3FBB]  }
0x39: {  	_ = 	snop;
	(pc) =	sbr.ind lr, $3  }
0x3a: {  	_ = 	snop  }
0x3b: {  	_ = 	snop  }
0x3c: {  	p2 =	seq.s32 s10, $0x1;
	s10 =	sld [smem:$0x3FBA]  }
0x3d: {  	_ =	shalt  }
0x3e: {  	_ =	shalt  }
0x3f: {  	_ =	shalt  }
0x40: {  	_ =	shalt  }
0x41: {  	_ =	shalt  }
0x42: {  	_ =	shalt  }
0x43: {  	_ =	shalt  }
0x44: {  	_ =	shalt  }
0x45: {  	_ =	shalt  }
0x46: {  	_ =	shalt  }
0x47: {  	_ =	shalt  }
0x48: {  	_ =	shalt  }
0x49: {  	_ =	shalt  }
0x4a: {  	_ =	shalt  }
0x4b: {  	_ =	shalt  }
0x4c: {  	_ =	shalt  }
0x4d: {  	_ =	shalt  }
0x4e: {  	_ =	shalt  }
0x4f: {  	_ =	shalt  }
0x50: {  	_ =	shalt  }
0x51: {  	_ =	shalt  }
0x52: {  	_ =	shalt  }
0x53: {  	_ =	shalt  }
0x54: {  	_ =	shalt  }
0x55: {  	_ =	shalt  }
0x56: {  	_ =	shalt  }
0x57: {  	_ =	shalt  }
0x58: {  	_ =	shalt  }
0x59: {  	_ =	shalt  }
0x5a: {  	_ =	shalt  }
0x5b: {  	_ =	shalt  }
0x5c: {  	_ =	shalt  }
0x5d: {  	_ =	shalt  }
0x5e: {  	_ =	shalt  }
0x5f: {  	_ =	shalt  }
0x60: {  	_ =	shalt  }
0x61: {  	_ =	shalt  }
0x62: {  	_ =	shalt  }
0x63: {  	_ =	shalt  }
0x64: {  	_ =	shalt  }
0x65: {  	_ =	shalt  }
0x66: {  	_ =	shalt  }
0x67: {  	_ =	shalt  }
0x68: {  	_ =	shalt  }
0x69: {  	_ =	shalt  }
0x6a: {  	_ =	shalt  }
0x6b: {  	_ =	shalt  }
0x6c: {  	_ =	shalt  }
0x6d: {  	_ =	shalt  }
0x6e: {  	_ =	shalt  }
0x6f: {  	_ =	shalt  }
0x70: {  	_ =	shalt  }
0x71: {  	_ =	shalt  }
0x72: {  	_ =	shalt  }
0x73: {  	_ =	shalt  }
0x74: {  	_ =	shalt  }
0x75: {  	_ =	shalt  }
0x76: {  	_ =	shalt  }
0x77: {  	_ =	shalt  }
0x78: {  	_ =	shalt  }
0x79: {  	_ =	shalt  }
0x7a: {  	_ =	shalt  }
0x7b: {  	_ =	shalt  }
0x7c: {  	_ =	shalt  }
0x7d: {  	_ =	shalt  }
0x7e: {  	_ =	shalt  }
0x7f: {  	_ =	shalt  }
0x80: {  	_ =	shalt  }
0x81: {  	_ =	shalt  }
0x82: {  	_ =	shalt  }
0x83: {  	_ =	shalt  }
0x84: {  	_ =	shalt  }
0x85: {  	_ =	shalt  }
0x86: {  	_ =	shalt  }
0x87: {  	_ =	shalt  }
.Lfunc_end0:
.L_simem_size_0:
called_computation_lowered:
.L_overlay_start_0:
0x88: {  	s2 =	sld [smem:$0x3FD9]  }
0x89: {  	s3 =	sld [smem:$0x3FFE];
	_ =	sdelay $0x1  }
0x8a: {  	s1 =	srdreg.scid  }
0x8b: {  	s0 =	sand.u32 $0x1, s1  }
0x8c: {  	s18 =	sshll.u32 s0, $0xA;
	s2 =	sadd.s32 s3, s2  }
0x8d: {  	s2 =	sadd.s32 s2, s18  }
0x8e: {  	[smem:$0x3FC6] =	sst s2  }
0x8f: {  	_ = 	snop  }
0x90: {  	s2 =	sld [smem:$0x3FC9]  }
0x91: {  	s19 =	sld [smem:$0x3FC8]  }
0x92: {  	s4 =	sld [smem:$0x3FD0];
	(tm) =	ssettm $0x1  }
0x93: {  	s5 =	sld [smem:$0x3FFB];
	_ =	sdelay $0x3  }
0x94: {  	_ =	strace s5  }
0x95: {  	s5 =	sld [smem:$0x3FFC];
	_ =	sdelay $0x3  }
0x96: {  	_ =	strace s5  }
0x97: {  	s5 =	sld [smem:$0x3FFD];
	_ =	sdelay $0x3  }
0x98: {  	_ =	strace s5  }
0x99: {  	_ =	strace $0x8FFFFFFF  }
0x9a: {  	s20 =	sld [smem:$0x3FDB];
	_ =	sdelay $0x1  }
0x9b: {  	s6 =	simm.s32 $_scs_section_size  }
0x9c: {  	s7 =	simm.s32 $_size__tile_overlayer_lowered;
	s8 =	simm.s32 $_tile_overlayer_lowered  }
0x9d: {  	s23 =	simm.s32 $0x1BFF;
	s22 =	sshll.u32 s8, $0x1;
	s5 =	sadd.s32 s6, s20  }
0x9e: {  	s9 =	simm.s32 $0x0;
	s21 =	sshll.u32 s7, $0x1;
	s7 =	sadd.s32 s22, s5  }
0x9f: {  	[timem:s9], [sflag:s23] =	dma.local [hbm:s7], s21  }
0xa0: {  	_ =	swait.ge [sflag:s23], s21  }
0xa1: {  	s6 =	ssub.s32 $0x0, s21;
	[sflag:s23] =	ssyncset.done $0x0  }
0xa2: {  	[sflag:s23] =	ssyncadd.s32 s6;
	_ =	sdelay $0x1  }
0xa3: {  	s24 =	simm.s32 $0x1B8B  }
0xa4: {  	_ =	swait.ge [sflag:s24], $0x1  }
0xa5: {  	[sflag:s24] =	ssyncset.done $0x0  }
0xa6: {  	s25 =	simm.s32 $0x1B8E;
	[sflag:s24] =	ssyncadd.s32 $0xFFFFFFFF  }
0xa7: {  	s26 =	simm.s32 $execute0_lowered;
	[smem:$0x3FD2] =	sst s25  }
0xa8: {  	s6 =	sshll.u32 s26, $0x1;
	_ =	strace $0x80000046;
	[dreg:$0x1] =	wrdreg $0xFFFFFFFF  }
0xa9: {  	s28 =	simm.s32 $_size_execute0_lowered;
	s5 =	sadd.s32 s5, s6;
	[dreg:$0x0] =	wrdreg $0x0  }
0xaa: {  	s6 =	sshll.u32 s28, $0x1;
	[dreg:$0x2] =	wrdreg s5  }
0xab: {  	[dreg:$0x3] =	wrdreg s6  }
0xac: {  	[dreg:$0x4] =	wrdreg $0xC0  }
0xad: {  	_ =	task [dreg:s9], $0x5FFFF  }
0xae: {  	[dreg:$0x1] =	wrdreg $0xFFFFFFFF  }
0xaf: {  	[dreg:$0x0] =	wrdreg $0x60  }
0xb0: {  	[dreg:$0x2] =	wrdreg s2  }
0xb1: {  	[dreg:$0x3] =	wrdreg s19  }
0xb2: {  	[dreg:$0x4] =	wrdreg s4  }
0xb3: {  	[dreg:$0x5] =	wrdreg $0x0  }
0xb4: {  	[dreg:$0x6] =	wrdreg $0x9  }
0xb5: {  	_ =	task.clear_ibuf [dreg:s9], $0x7FFFF;
	_ =	strace $0x90000046  }
0xb6: {  	s29 =	simm.s32 $0x9;
	_ =	strace $0x80000048  }
0xb7: {  	_ =	swait.ge [sflag:s29], $0x1  }
0xb8: {  	[sflag:s29] =	ssyncadd.s32 $0xFFFFFFFF  }
0xb9: {  	_ =	strace $0x90000048  }
0xba: {  	_ =	sfence  }
0xbb: {  	s30 =	sld [smem:$0x0];
	_ =	sdelay $0x2  }
0xbc: {  	s31 =	sshll.u32 s1, $0xD;
	s1 =	sshrl.u32 s1, $0x2  }
0xbd: {  	s3 =	sand.u32 $0x4000, s31;
	s1 =	sadd.s32 s1, s30  }
0xbe: {  	s0 =	sor.u32 s3, s0;
	s1 =	sshll.u32 s1, $0x11  }
0xbf: {  	s0 =	sor.u32 s1, s0  }
0xc0: {  	s0 =	sadd.s32 $0x8F2B, s0  }
0xc1: {  	[sflag:s0] =	ssyncadd.remote.s32 $0x1  }
0xc2: {  	_ =	sfence.sel $0xFFFF  }
0xc3: {  	[dreg:$0x0] =	wrdreg $0xFFFFFFFF;
	(pc) =	sbr.abs _section_cstart, $3  }
0xc4: {  	[dreg:$0x1] =	wrdreg $0xFFFFFFFF  }
0xc5: {  	_ =	task.clear_ibuf [dreg:s9], $0x2FFFF;
	_ =	strace $0x9FFFFFFF  }
0xc6: {  	(tm) =	ssettm $0x7FFFFFFF  }
0xc7: {  	_ =	shalt  }
tec
execute0_lowered:
.L_overlay_start_1:
0x0: {  	(tag) =	ssettag $0x1  }
0x1: {  	s1 =	rddreg [dreg:$0x0]  }
0x2: {  	s4 =	rddreg [dreg:$0x1]  }
0x3: {  	s5 =	rddreg [dreg:$0x2];
	s0 =	srdreg.scid  }
0x4: {  	s2 =	rddreg [dreg:$0x3];
	s8 =	stileid.u32;
	s3 =	simm.s32 $0x0  }
0x5: {  	s15 =	simm.s32 $0x1F80;
	s16 =	simm.s32 $0x1FC0;
	[smem:$0x7FF] =	sst s3  }
0x6: {  	s17 =	simm.s32 $0x2000;
	_ =	strace $0x80000047;
	[dreg:$0x10] =	wrdreg s15  }
0x7: {  	s18 =	simm.s32 $0x2040;
	s19 =	simm.s32 $0x2080;
	[dreg:$0x11] =	wrdreg s16  }
0x8: {  	s20 =	simm.s32 $0x20C0;
	s0 =	sand.u32 $0x1, s0;
	[dreg:$0x12] =	wrdreg s17  }
0x9: {  	s6 =	sshll.u32 s8, $0xA;
	s21 =	sshll.u32 s8, $0x6;
	[dreg:$0x13] =	wrdreg s18  }
0xa: {  	s7 =	sshll.u32 s0, $0x9;
	s9 =	smin.u32 s21, $0x3A8;
	[dreg:$0x14] =	wrdreg s19  }
0xb: {  	s26 =	sor.u32 $0x1C11, s21;
	[dreg:$0x15] =	wrdreg s20;
	s23 =	sshll.u32 s9, $0x4  }
0xc: {  	s6 =	sor.u32 s7, s6;
	[dreg:$0x7] =	wrdreg s26;
	s24 =	sadd.s32 s4, s23  }
0xd: {  	s22 =	sshrl.u32 s6, $0x3;
	[dreg:$0x6] =	wrdreg s24  }
0xe: {  	s1 =	sadd.s32 s1, s22;
	s22 =	rddreg [dreg:$0x7]  }
0xf: {  	s25 =	sshll.u32 s6, $0x4;
	[dreg:$0x5] =	wrdreg s1  }
0x10: {  	s5 =	sadd.s32 s5, s25;
	s24 =	simm.s32 $0x2100;
	s21 =	rddreg [dreg:$0x6]  }
0x11: {  	s4 =	sadd.s32 $0x400, s5;
	[dreg:$0x16] =	wrdreg s24  }
0x12: {  	s6 =	sadd.s32 $0x800, s5;
	[dreg:$0x8] =	wrdreg s4  }
0x13: {  	s7 =	sadd.s32 $0xC00, s5;
	[dreg:$0x9] =	wrdreg s6  }
0x14: {  	s8 =	sadd.s32 $0x1000, s5;
	[dreg:$0xa] =	wrdreg s7  }
0x15: {  	s10 =	sadd.s32 $0x1400, s5;
	[dreg:$0xb] =	wrdreg s8  }
0x16: {  	s12 =	sadd.s32 $0x1800, s5;
	[dreg:$0xc] =	wrdreg s10  }
0x17: {  	s11 =	sshll.u32 s9, $0x7;
	s13 =	sadd.s32 $0x1C00, s5;
	[dreg:$0xd] =	wrdreg s12  }
0x18: {  	s4 =	sadd.s32 s11, s2;
	[dreg:$0xe] =	wrdreg s13  }
0x19: {  	s23 =	rddreg [dreg:$0x5];
	s10 =	simm.s32 $0x1F40;
	s14 =	sshrl.u32 s4, $0x3  }
0x1a: {  	[tilespmem:s10], [sflag:$0x12] =	stream.linear.gather [hbm4b:s23+s3], $0x200, $0x38;
	[tilespmem:$0x12140] =	vst v63  }
0x1b: {  	[dreg:$0xf] =	wrdreg s14  }
0x1c: {  	s6 =	simm.s32 $0x11;
	s25 =	rddreg [dreg:$0xf]  }
0x1d: {  	[spmem:s25], [sflag:s22] =	dma.local [hbm:s21], $0x400  }
0x1e: {  	_ =	swait.ge [sflag:s6], $0x400  }
0x1f: {  	[sflag:s6] =	ssyncset.done $0x0  }
0x20: {  	s7 =	simm.s32 $0x12;
	[sflag:s6] =	ssyncadd.s32 $0xFFFFFC00  }
0x21: {  	_ =	swait.ge [sflag:s7], $0x200  }
0x22: {  	[sflag:s7] =	ssyncset.done $0x0  }
0x23: {  	[sflag:s7] =	ssyncadd.s32 $0xFFFFFE00  }
0x24: {  	s26 =	simm.s32 $0x2140;
	s8 =	simm.s32 $0x40;
	[bflag:$0x0] =	sbarrier.arrive $0xFFFF  }
0x25: {  	[tilespmem:s26], [sflag:$0x1] =	stream.indirect.gather [spmem:s2], $0x80, s10, s8, $0xb8;
	[tilespmem:$0x12140] =	vst v63  }
0x26: {  	s16 =	simm.s32 $0x4140;
	s15 =	rddreg [dreg:$0x10]  }
0x27: {  	[tilespmem:s16], [sflag:$0x2] =	stream.indirect.gather [spmem:s2], $0x80, s15, s8, $0xb8;
	[tilespmem:$0x12140] =	vst v63  }
0x28: {  	s11 =	simm.s32 $0x6140;
	s19 =	rddreg [dreg:$0x11]  }
0x29: {  	[tilespmem:s11], [sflag:$0x3] =	stream.indirect.gather [spmem:s2], $0x80, s19, s8, $0xb8;
	[tilespmem:$0x12140] =	vst v63  }
0x2a: {  	s13 =	simm.s32 $0x8140;
	s20 =	rddreg [dreg:$0x12]  }
0x2b: {  	[tilespmem:s13], [sflag:$0x4] =	stream.indirect.gather [spmem:s2], $0x80, s20, s8, $0xb8;
	[tilespmem:$0x12140] =	vst v63  }
0x2c: {  	s14 =	simm.s32 $0xA140;
	s21 =	rddreg [dreg:$0x13]  }
0x2d: {  	[tilespmem:s14], [sflag:$0x5] =	stream.indirect.gather [spmem:s2], $0x80, s21, s8, $0xb8;
	[tilespmem:$0x12140] =	vst v63  }
0x2e: {  	s22 =	rddreg [dreg:$0x14];
	s15 =	simm.s32 $0xC140  }
0x2f: {  	[tilespmem:s15], [sflag:$0x6] =	stream.indirect.gather [spmem:s2], $0x80, s22, s8, $0xb8;
	[tilespmem:$0x12140] =	vst v63  }
0x30: {  	s12 =	simm.s32 $0xE140;
	s23 =	rddreg [dreg:$0x15]  }
0x31: {  	[tilespmem:s12], [sflag:$0x7] =	stream.indirect.gather [spmem:s2], $0x80, s23, s8, $0xb8;
	[tilespmem:$0x12140] =	vst v63  }
0x32: {  	s17 =	simm.s32 $0x1;
	s25 =	simm.s32 $0x10140;
	s24 =	rddreg [dreg:$0x16]  }
0x33: {  	[tilespmem:s25], [sflag:$0x8] =	stream.indirect.gather [spmem:s2], $0x80, s24, s8, $0xb8;
	[tilespmem:$0x12140] =	vst v63  }
0x34: {  	_ =	swait.ge [sflag:s17], $0x2000  }
0x35: {  	[sflag:s17] =	ssyncset.done $0x0  }
0x36: {  	s18 =	simm.s32 $0x2;
	[dreg:$0x17] =	wrdreg s5;
	[sflag:s17] =	ssyncadd.s32 $0xFFFFE000  }
0x37: {  	[hbm4b:s5+s3] =	stream.linear.scatter [tilespmem:s26], [sflag:$0x9], $0x2000, $0x38;
	[tilespmem:$0x12140] =	vst v63  }
0x38: {  	_ =	swait.ge [sflag:s18], $0x2000  }
0x39: {  	[sflag:s18] =	ssyncset.done $0x0  }
0x3a: {  	s19 =	simm.s32 $0x3;
	s26 =	rddreg [dreg:$0x8];
	[sflag:s18] =	ssyncadd.s32 $0xFFFFE000  }
0x3b: {  	[hbm4b:s26+s3] =	stream.linear.scatter [tilespmem:s16], [sflag:$0xA], $0x2000, $0x38;
	[tilespmem:$0x12140] =	vst v63  }
0x3c: {  	_ =	swait.ge [sflag:s19], $0x2000  }
0x3d: {  	[sflag:s19] =	ssyncset.done $0x0  }
0x3e: {  	s20 =	simm.s32 $0x4;
	s5 =	rddreg [dreg:$0x9];
	[sflag:s19] =	ssyncadd.s32 $0xFFFFE000  }
0x3f: {  	[hbm4b:s5+s3] =	stream.linear.scatter [tilespmem:s11], [sflag:$0xB], $0x2000, $0x38;
	[tilespmem:$0x12140] =	vst v63  }
0x40: {  	_ =	swait.ge [sflag:s20], $0x2000  }
0x41: {  	[sflag:s20] =	ssyncset.done $0x0  }
0x42: {  	s21 =	simm.s32 $0x5;
	s9 =	rddreg [dreg:$0xa];
	[sflag:s20] =	ssyncadd.s32 $0xFFFFE000  }
0x43: {  	[hbm4b:s9+s3] =	stream.linear.scatter [tilespmem:s13], [sflag:$0xC], $0x2000, $0x38;
	[tilespmem:$0x12140] =	vst v63  }
0x44: {  	_ =	swait.ge [sflag:s21], $0x2000  }
0x45: {  	[sflag:s21] =	ssyncset.done $0x0  }
0x46: {  	s22 =	simm.s32 $0x6;
	s10 =	rddreg [dreg:$0xb];
	[sflag:s21] =	ssyncadd.s32 $0xFFFFE000  }
0x47: {  	[hbm4b:s10+s3] =	stream.linear.scatter [tilespmem:s14], [sflag:$0xD], $0x2000, $0x38;
	[tilespmem:$0x12140] =	vst v63  }
0x48: {  	_ =	swait.ge [sflag:s22], $0x2000  }
0x49: {  	[sflag:s22] =	ssyncset.done $0x0  }
0x4a: {  	s23 =	simm.s32 $0x7;
	s11 =	rddreg [dreg:$0xc];
	[sflag:s22] =	ssyncadd.s32 $0xFFFFE000  }
0x4b: {  	[hbm4b:s11+s3] =	stream.linear.scatter [tilespmem:s15], [sflag:$0xE], $0x2000, $0x38;
	[tilespmem:$0x12140] =	vst v63  }
0x4c: {  	_ =	swait.ge [sflag:s23], $0x2000  }
0x4d: {  	[sflag:s23] =	ssyncset.done $0x0  }
0x4e: {  	s24 =	simm.s32 $0x8;
	s13 =	rddreg [dreg:$0xd];
	[sflag:s23] =	ssyncadd.s32 $0xFFFFE000  }
0x4f: {  	[hbm4b:s13+s3] =	stream.linear.scatter [tilespmem:s12], [sflag:$0xF], $0x2000, $0x38;
	[tilespmem:$0x12140] =	vst v63  }
0x50: {  	_ =	swait.ge [sflag:s24], $0x2000  }
0x51: {  	[sflag:s24] =	ssyncset.done $0x0  }
0x52: {  	s14 =	rddreg [dreg:$0xe];
	[sflag:s24] =	ssyncadd.s32 $0xFFFFE000  }
0x53: {  	[hbm4b:s14+s3] =	stream.linear.scatter [tilespmem:s25], [sflag:$0x10], $0x2000, $0x38;
	[tilespmem:$0x12140] =	vst v63  }
0x54: {  	s25 =	simm.s32 $0x9  }
0x55: {  	_ =	swait.ge [sflag:s25], $0x2000  }
0x56: {  	[sflag:s25] =	ssyncset.done $0x0  }
0x57: {  	s26 =	simm.s32 $0xA;
	[sflag:s25] =	ssyncadd.s32 $0xFFFFE000  }
0x58: {  	_ =	swait.ge [sflag:s26], $0x2000  }
0x59: {  	[sflag:s26] =	ssyncset.done $0x0  }
0x5a: {  	s28 =	simm.s32 $0xB;
	[sflag:s26] =	ssyncadd.s32 $0xFFFFE000  }
0x5b: {  	_ =	swait.ge [sflag:s28], $0x2000  }
0x5c: {  	[sflag:s28] =	ssyncset.done $0x0  }
0x5d: {  	s29 =	simm.s32 $0xC;
	[sflag:s28] =	ssyncadd.s32 $0xFFFFE000  }
0x5e: {  	_ =	swait.ge [sflag:s29], $0x2000  }
0x5f: {  	[sflag:s29] =	ssyncset.done $0x0  }
0x60: {  	s30 =	simm.s32 $0xD;
	[sflag:s29] =	ssyncadd.s32 $0xFFFFE000  }
0x61: {  	s15 =	ssub.s32 $0x2, s0;
	_ =	swait.ge [sflag:s30], $0x2000  }
0x62: {  	s16 =	sshrl.u32 s15, $0x1;
	[sflag:s30] =	ssyncset.done $0x0  }
0x63: {  	s31 =	simm.s32 $0xE;
	s1 =	ssub.s32 s15, s16;
	[sflag:s30] =	ssyncadd.s32 $0xFFFFE000  }
0x64: {  	s4 =	smax.u32 s1, $0x1;
	_ =	swait.ge [sflag:s31], $0x2000  }
0x65: {  	p0 =	sne.s32 s4, $0x1;
	[sflag:s31] =	ssyncset.done $0x0  }
.Ltmp0:
0x66: {  	s0 =	simm.s32 $0xF;
	[sflag:s31] =	ssyncadd.s32 $0xFFFFE000;
	(pc) =	sbr.rel @!p0 .LBB2_3-.Ltmp0, $4  }
0x67: {  	_ =	swait.ge [sflag:s0], $0x2000  }
0x68: {  	[sflag:s0] =	ssyncset.done $0x0  }
0x69: {  	s1 =	simm.s32 $0x10;
	[sflag:s0] =	ssyncadd.s32 $0xFFFFE000  }
0x6a: {  	s4 =	sadd.s32 $0xFFFFFFFF, s4;
	_ =	swait.ge [sflag:s1], $0x2000  }
0x6b: {  	s14 =	simm.s32 $0x8140  }
0x6c: {  	s15 =	simm.s32 $0xA140;
	s16 =	simm.s32 $0xC140;
	s12 =	simm.s32 $0xE140  }
.LBB2_2:
0x6d: {  	s5 =	rddreg [dreg:$0x6]  }
0x6e: {  	s9 =	rddreg [dreg:$0x7]  }
0x6f: {  	[sflag:s1] =	ssyncset.done $0x0;
	s10 =	rddreg [dreg:$0x5]  }
0x70: {  	s11 =	rddreg [dreg:$0xf];
	s13 =	simm.s32 $0x1F40;
	[sflag:s1] =	ssyncadd.s32 $0xFFFFE000  }
0x71: {  	[tilespmem:s13], [sflag:$0x12] =	stream.linear.gather [hbm4b:s10+s3], $0x200, $0x38;
	[tilespmem:$0x12140] =	vst v63  }
0x72: {  	[spmem:s11], [sflag:s9] =	dma.local [hbm:s5], $0x400  }
0x73: {  	_ =	swait.ge [sflag:s6], $0x400  }
0x74: {  	[sflag:s6] =	ssyncset.done $0x0  }
0x75: {  	[sflag:s6] =	ssyncadd.s32 $0xFFFFFC00  }
0x76: {  	_ =	swait.ge [sflag:s7], $0x200  }
0x77: {  	[sflag:s7] =	ssyncset.done $0x0  }
0x78: {  	[sflag:s7] =	ssyncadd.s32 $0xFFFFFE00  }
0x79: {  	s10 =	simm.s32 $0x2140;
	[bflag:$0x0] =	sbarrier.arrive $0xFFFF  }
0x7a: {  	[tilespmem:s10], [sflag:$0x1] =	stream.indirect.gather [spmem:s2], $0x80, s13, s8, $0xb8;
	[tilespmem:$0x12140] =	vst v63  }
0x7b: {  	s11 =	simm.s32 $0x4140;
	s5 =	rddreg [dreg:$0x10]  }
0x7c: {  	[tilespmem:s11], [sflag:$0x2] =	stream.indirect.gather [spmem:s2], $0x80, s5, s8, $0xb8;
	[tilespmem:$0x12140] =	vst v63  }
0x7d: {  	s9 =	rddreg [dreg:$0x11];
	s13 =	simm.s32 $0x6140  }
0x7e: {  	[tilespmem:s13], [sflag:$0x3] =	stream.indirect.gather [spmem:s2], $0x80, s9, s8, $0xb8;
	[tilespmem:$0x12140] =	vst v63  }
0x7f: {  	s5 =	rddreg [dreg:$0x12]  }
0x80: {  	[tilespmem:s14], [sflag:$0x4] =	stream.indirect.gather [spmem:s2], $0x80, s5, s8, $0xb8;
	[tilespmem:$0x12140] =	vst v63  }
0x81: {  	s9 =	rddreg [dreg:$0x13]  }
0x82: {  	[tilespmem:s15], [sflag:$0x5] =	stream.indirect.gather [spmem:s2], $0x80, s9, s8, $0xb8;
	[tilespmem:$0x12140] =	vst v63  }
0x83: {  	s5 =	rddreg [dreg:$0x14]  }
0x84: {  	[tilespmem:s16], [sflag:$0x6] =	stream.indirect.gather [spmem:s2], $0x80, s5, s8, $0xb8;
	[tilespmem:$0x12140] =	vst v63  }
0x85: {  	s9 =	rddreg [dreg:$0x15]  }
0x86: {  	[tilespmem:s12], [sflag:$0x7] =	stream.indirect.gather [spmem:s2], $0x80, s9, s8, $0xb8;
	[tilespmem:$0x12140] =	vst v63  }
0x87: {  	s5 =	rddreg [dreg:$0x16];
	s9 =	simm.s32 $0x10140  }
0x88: {  	[tilespmem:s9], [sflag:$0x8] =	stream.indirect.gather [spmem:s2], $0x80, s5, s8, $0xb8;
	[tilespmem:$0x12140] =	vst v63  }
0x89: {  	_ =	swait.ge [sflag:s17], $0x2000  }
0x8a: {  	[sflag:s17] =	ssyncset.done $0x0  }
0x8b: {  	s5 =	rddreg [dreg:$0x17];
	[sflag:s17] =	ssyncadd.s32 $0xFFFFE000  }
0x8c: {  	[hbm4b:s5+s3] =	stream.linear.scatter [tilespmem:s10], [sflag:$0x9], $0x2000, $0x38;
	[tilespmem:$0x12140] =	vst v63  }
0x8d: {  	_ =	swait.ge [sflag:s18], $0x2000  }
0x8e: {  	[sflag:s18] =	ssyncset.done $0x0  }
0x8f: {  	s10 =	rddreg [dreg:$0x8];
	[sflag:s18] =	ssyncadd.s32 $0xFFFFE000  }
0x90: {  	[hbm4b:s10+s3] =	stream.linear.scatter [tilespmem:s11], [sflag:$0xA], $0x2000, $0x38;
	[tilespmem:$0x12140] =	vst v63  }
0x91: {  	_ =	swait.ge [sflag:s19], $0x2000  }
0x92: {  	[sflag:s19] =	ssyncset.done $0x0  }
0x93: {  	s10 =	rddreg [dreg:$0x9];
	[sflag:s19] =	ssyncadd.s32 $0xFFFFE000  }
0x94: {  	[hbm4b:s10+s3] =	stream.linear.scatter [tilespmem:s13], [sflag:$0xB], $0x2000, $0x38;
	[tilespmem:$0x12140] =	vst v63  }
0x95: {  	_ =	swait.ge [sflag:s20], $0x2000  }
0x96: {  	[sflag:s20] =	ssyncset.done $0x0  }
0x97: {  	s11 =	rddreg [dreg:$0xa];
	[sflag:s20] =	ssyncadd.s32 $0xFFFFE000  }
0x98: {  	[hbm4b:s11+s3] =	stream.linear.scatter [tilespmem:s14], [sflag:$0xC], $0x2000, $0x38;
	[tilespmem:$0x12140] =	vst v63  }
0x99: {  	_ =	swait.ge [sflag:s21], $0x2000  }
0x9a: {  	[sflag:s21] =	ssyncset.done $0x0  }
0x9b: {  	s13 =	rddreg [dreg:$0xb];
	[sflag:s21] =	ssyncadd.s32 $0xFFFFE000  }
0x9c: {  	[hbm4b:s13+s3] =	stream.linear.scatter [tilespmem:s15], [sflag:$0xD], $0x2000, $0x38;
	[tilespmem:$0x12140] =	vst v63  }
0x9d: {  	_ =	swait.ge [sflag:s22], $0x2000  }
0x9e: {  	[sflag:s22] =	ssyncset.done $0x0  }
0x9f: {  	s10 =	rddreg [dreg:$0xc];
	[sflag:s22] =	ssyncadd.s32 $0xFFFFE000  }
0xa0: {  	[hbm4b:s10+s3] =	stream.linear.scatter [tilespmem:s16], [sflag:$0xE], $0x2000, $0x38;
	[tilespmem:$0x12140] =	vst v63  }
0xa1: {  	_ =	swait.ge [sflag:s23], $0x2000  }
0xa2: {  	[sflag:s23] =	ssyncset.done $0x0  }
0xa3: {  	s11 =	rddreg [dreg:$0xd];
	[sflag:s23] =	ssyncadd.s32 $0xFFFFE000  }
0xa4: {  	[hbm4b:s11+s3] =	stream.linear.scatter [tilespmem:s12], [sflag:$0xF], $0x2000, $0x38;
	[tilespmem:$0x12140] =	vst v63  }
0xa5: {  	_ =	swait.ge [sflag:s24], $0x2000  }
0xa6: {  	[sflag:s24] =	ssyncset.done $0x0  }
0xa7: {  	s13 =	rddreg [dreg:$0xe];
	[sflag:s24] =	ssyncadd.s32 $0xFFFFE000  }
0xa8: {  	[hbm4b:s13+s3] =	stream.linear.scatter [tilespmem:s9], [sflag:$0x10], $0x2000, $0x38;
	[tilespmem:$0x12140] =	vst v63  }
0xa9: {  	_ =	swait.ge [sflag:s25], $0x2000  }
0xaa: {  	[sflag:s25] =	ssyncset.done $0x0  }
0xab: {  	[sflag:s25] =	ssyncadd.s32 $0xFFFFE000  }
0xac: {  	_ =	swait.ge [sflag:s26], $0x2000  }
0xad: {  	[sflag:s26] =	ssyncset.done $0x0  }
0xae: {  	[sflag:s26] =	ssyncadd.s32 $0xFFFFE000  }
0xaf: {  	_ =	swait.ge [sflag:s28], $0x2000  }
0xb0: {  	[sflag:s28] =	ssyncset.done $0x0  }
0xb1: {  	[sflag:s28] =	ssyncadd.s32 $0xFFFFE000  }
0xb2: {  	_ =	swait.ge [sflag:s29], $0x2000  }
0xb3: {  	[sflag:s29] =	ssyncset.done $0x0  }
0xb4: {  	[sflag:s29] =	ssyncadd.s32 $0xFFFFE000  }
0xb5: {  	_ =	swait.ge [sflag:s30], $0x2000  }
0xb6: {  	[sflag:s30] =	ssyncset.done $0x0  }
0xb7: {  	[sflag:s30] =	ssyncadd.s32 $0xFFFFE000  }
0xb8: {  	_ =	swait.ge [sflag:s31], $0x2000  }
0xb9: {  	p0 =	sne.s32 s4, $0x1;
	[sflag:s31] =	ssyncset.done $0x0  }
.Ltmp1:
0xba: {  	[sflag:s31] =	ssyncadd.s32 $0xFFFFE000;
	(pc) =	sbr.rel @p0 .LBB2_2-.Ltmp1, $4  }
0xbb: {  	_ =	swait.ge [sflag:s0], $0x2000  }
0xbc: {  	[sflag:s0] =	ssyncset.done $0x0  }
0xbd: {  	[sflag:s0] =	ssyncadd.s32 $0xFFFFE000  }
0xbe: {  	s4 =	sadd.s32 $0xFFFFFFFF, s4;
	_ =	swait.ge [sflag:s1], $0x2000  }
.LBB2_3:
0xbf: {  	[sflag:s1] =	ssyncset.done $0x0  }
0xc0: {  	[sflag:s1] =	ssyncadd.s32 $0xFFFFE000  }
0xc1: {  	_ =	sfence.sel $0x180000  }
0xc2: {  	[bflag:$0x0] =	sbarrier.arrive $0xFFFF  }
0xc3: {  	_ =	strace $0x90000047  }
0xc4: {  	s0 =	stileid.u32;
	[bflag:$0x2] =	sbarrier.arrive $0xFFFF  }
0xc5: {  	p0 =	sne.s32 s0, $0x0;
	s0 =	rddreg [dreg:$0x4]  }
0xc6: {  	s0 =	sadd.s32 @!p0 $0x100000, s0  }
0xc7: {  	[sflag:s0] =	ssyncadd.tile.s32 @!p0 $0x1;
	_ =	shalt  }
.Lfunc_end2:
_tile_overlayer_lowered:
.L_overlay_start_2:
0xc8: {  	(tag) =	ssettag $0x2  }
0xc9: {  	s0 =	rddreg [dreg:$0x0];
	s2 =	stileid.u32  }
0xca: {  	s1 =	rddreg [dreg:$0x1];
	p0 =	sne.s32 s2, $0x0  }
0xcb: {  	s3 =	rddreg [dreg:$0x2];
	[bflag:$0x3] =	sbarrier.arrive $0xFFFF;
	s2 =	simm.s32 @!p0 $0x1C13  }
0xcc: {  	[timem:s3], [sflag:s2] =	dma.local @!p0 [hbm:s0], s1  }
0xcd: {  	s0 =	simm.s32 @!p0 $0x13  }
0xce: {  	_ =	swait.ge @!p0 [sflag:s0], s1  }
0xcf: {  	s1 =	ssub.s32 @!p0 $0x0, s1;
	[sflag:s0] =	ssyncset.done @!p0 $0x0  }
0xd0: {  	[sflag:s0] =	ssyncadd.s32 @!p0 s1  }
0xd1: {  	[bflag:$0x3] =	sbarrier.arrive $0xFFFF  }
0xd2: {  	_ =	shalt  }

</sc_bundles>
